<compile_context>
chip_gen: v7x
topology: tpu7x:2x2x1
jax: 0.10.2.dev20260603
libtpu: 0.0.44.dev20260713+nightly
codegen_flags: <defaults>
</compile_context>

<pallas_src>
import functools

import jax
import jax.numpy as jnp
from jax import lax
from jax.experimental import pallas as pl
from jax.experimental.pallas import tpu as pltpu
from jax.experimental.pallas import tpu_sc as plsc

N = 4096
EMB = 128
HID = 128
OUT = 64
E = 1000000

NC = 2
NS = 16
NW = NC * NS
L = 16


_RPW = N // NW


@functools.cache
def _make_sc_prologue():
    @functools.partial(
        pl.kernel,
        mesh=plsc.VectorSubcoreMesh(core_axis_name="c", subcore_axis_name="s"),
        out_type=[
            jax.ShapeDtypeStruct((N, EMB), jnp.float32),
            jax.ShapeDtypeStruct((_EPAD,), jnp.int32),
        ],
        scratch_types=[
            pltpu.VMEM((_RPW,), jnp.int32),
            pltpu.VMEM((_RPW, EMB), jnp.float32),
            pltpu.VMEM((_EMX,), jnp.int32),
            pltpu.VMEM((_EMX,), jnp.int32),
            pltpu.SemaphoreType.DMA,
        ],
    )
    def _sc_prologue(emb_hbm, idx_hbm, src_hbm, dst_hbm, x_hbm, flat_hbm,
                     idx_v, rows_v, src_v, dst_v, sem):
        c = lax.axis_index("c")
        s = lax.axis_index("s")
        wid = s * NC + c
        rbase = wid * _RPW
        pltpu.sync_copy(idx_hbm.at[pl.ds(rbase, _RPW)], idx_v)
        pltpu.async_copy(emb_hbm.at[idx_v], rows_v, sem).wait()
        pltpu.sync_copy(rows_v, x_hbm.at[pl.ds(rbase, _RPW)])

        def prep(base, ew):
            pltpu.sync_copy(src_hbm.at[pl.ds(base, ew)], src_v.at[pl.ds(0, ew)])
            pltpu.sync_copy(dst_hbm.at[pl.ds(base, ew)], dst_v.at[pl.ds(0, ew)])

            def idx_body(g, carry):
                for l in range(8):
                    o = g * (8 * L) + l * L
                    sidx = src_v[pl.ds(o, L)]
                    t = dst_v[pl.ds(o, L)]
                    src_v[pl.ds(o, L)] = (
                        lax.shift_left(lax.shift_right_logical(t, 7), 19)
                        + lax.shift_left(sidx, 7)
                        + lax.bitwise_and(t, 127)
                    )
                return carry

            lax.fori_loop(0, ew // (8 * L), idx_body, 0)
            pltpu.sync_copy(src_v.at[pl.ds(0, ew)], flat_hbm.at[pl.ds(base, ew)])

        @pl.when(c == 0)
        def _():
            prep(s * _E0, _E0)

        @pl.when(c == 1)
        def _():
            prep(NS * _E0 + s * _E1, _E1)

    return _sc_prologue



_BI = 512
_BJ = 512


def _dnorm_body(a_ref, o_ref, ar_ref, acc_ref):
    i = pl.program_id(1)

    @pl.when(i == 0)
    def _():
        acc_ref[...] = jnp.zeros_like(acc_ref)

    a = jnp.maximum(a_ref[...], 0.0)
    ar_ref[...] = a.astype(jnp.bfloat16)
    acc_ref[...] += jnp.sum(a, axis=0, keepdims=True)

    @pl.when(i == pl.num_programs(1) - 1)
    def _():
        deg = acc_ref[...]
        o_ref[...] = jnp.where(deg > 0.0, lax.rsqrt(deg), 0.0)


def _dnorm(A):
    return pl.pallas_call(
        _dnorm_body,
        grid=(N // _BJ, N // _BI),
        in_specs=[pl.BlockSpec((_BI, _BJ), lambda j, i: (i, j))],
        out_specs=[
            pl.BlockSpec((1, _BJ), lambda j, i: (0, j)),
            pl.BlockSpec((_BI, _BJ), lambda j, i: (i, j)),
        ],
        out_shape=[
            jax.ShapeDtypeStruct((1, N), jnp.float32),
            jax.ShapeDtypeStruct((N, N), jnp.bfloat16),
        ],
        scratch_shapes=[pltpu.VMEM((1, _BJ), jnp.float32)],
    )(A)




def _layer_body(a_ref, x_ref, drow_ref, dcol_ref, w_ref, b_ref, o_ref,
                acc_ref, xls_ref, *, relu_out, bi):
    j = pl.program_id(0)
    i = pl.program_id(1)

    @pl.when(j == 0)
    def _():
        xw = jnp.dot(x_ref[pl.ds(i * bi, bi), :], w_ref[...],
                     preferred_element_type=jnp.float32)
        xls_ref[pl.ds(i * bi, bi), :] = (
            drow_ref[pl.ds(i * bi, bi), :] * xw).astype(jnp.bfloat16)

    @pl.when(i == 0)
    def _():
        acc_ref[...] = jnp.zeros_like(acc_ref)

    acc_ref[...] += lax.dot_general(
        a_ref[...], xls_ref[pl.ds(i * bi, bi), :],
        (((0,), (0,)), ((), ())),
        preferred_element_type=jnp.float32,
    )

    @pl.when(i == pl.num_programs(1) - 1)
    def _():
        y = dcol_ref[...] * acc_ref[...] + b_ref[...]
        o_ref[...] = jnp.maximum(y, 0.0) if relu_out else y


def _layer(Ar, x, d_col, W, b, relu_out):
    din = x.shape[1]
    dout = W.shape[1]
    body = functools.partial(_layer_body, relu_out=relu_out, bi=_BI)
    return pl.pallas_call(
        body,
        grid=(N // _BJ, N // _BI),
        in_specs=[
            pl.BlockSpec((_BI, _BJ), lambda j, i: (i, j)),
            pl.BlockSpec((N, din), lambda j, i: (0, 0)),
            pl.BlockSpec((N, 1), lambda j, i: (0, 0)),
            pl.BlockSpec((_BJ, 1), lambda j, i: (j, 0)),
            pl.BlockSpec((din, dout), lambda j, i: (0, 0)),
            pl.BlockSpec((1, dout), lambda j, i: (0, 0)),
        ],
        out_specs=pl.BlockSpec((_BJ, dout), lambda j, i: (j, 0)),
        out_shape=jax.ShapeDtypeStruct((N, dout), jnp.float32),
        scratch_shapes=[
            pltpu.VMEM((_BJ, dout), jnp.float32),
            pltpu.VMEM((N, dout), jnp.bfloat16),
        ],
    )(Ar, x, d_col, d_col, W, b)



_BGC = 512


def _gram_body(zi_ref, zc_ref, o_ref):
    res = lax.dot_general(
        zi_ref[...], zc_ref[...],
        (((1,), (1,)), ((), ())),
        preferred_element_type=jnp.float32,
    )
    for t in range(_BGC // 128):
        o_ref[t, :, :] = res[:, t * 128:(t + 1) * 128]


def _gram(z):
    return pl.pallas_call(
        _gram_body,
        grid=(N // _BGC,),
        in_specs=[
            pl.BlockSpec((N, OUT), lambda c: (0, 0)),
            pl.BlockSpec((_BGC, OUT), lambda c: (c, 0)),
        ],
        out_specs=pl.BlockSpec((_BGC // 128, N, 128), lambda c: (c, 0, 0)),
        out_shape=jax.ShapeDtypeStruct((N // 128, N, 128), jnp.float32),
    )(z, z)



_CH = 128
_KF = 8
_N0 = 392
_N1 = 104
_E0 = _N0 * _CH
_E1 = _N1 * _CH
_EMX = max(_E0, _E1)
_EPAD = NS * (_E0 + _E1)


@functools.cache
def _make_sc_decode():
    @functools.partial(
        pl.kernel,
        mesh=plsc.VectorSubcoreMesh(core_axis_name="c", subcore_axis_name="s"),
        out_type=jax.ShapeDtypeStruct((_EPAD,), jnp.float32),
        scratch_types=[
            pltpu.VMEM((_EMX,), jnp.int32),
            pltpu.VMEM((_EMX,), jnp.float32),
            pltpu.SemaphoreType.DMA,
        ],
    )
    def _sc_decode(g_hbm, flat_hbm, out_hbm, flat_v, res_v, sem):
        c = lax.axis_index("c")
        s = lax.axis_index("s")

        def run(base, nchunks):
            ew = nchunks * _CH
            pltpu.sync_copy(flat_hbm.at[pl.ds(base, ew)], flat_v.at[pl.ds(0, ew)])

            def group(g, carry):
                copies = []
                for j in range(_KF):
                    off = (g * _KF + j) * _CH
                    copies.append(
                        pltpu.async_copy(g_hbm.at[flat_v.at[pl.ds(off, _CH)]],
                                         res_v.at[pl.ds(off, _CH)], sem))
                for cp in copies:
                    cp.wait()
                return carry

            lax.fori_loop(0, nchunks // _KF, group, 0)
            pltpu.sync_copy(res_v.at[pl.ds(0, ew)], out_hbm.at[pl.ds(base, ew)])

        @pl.when(c == 0)
        def _():
            run(s * _E0, _N0)

        @pl.when(c == 1)
        def _():
            run(NS * _E0 + s * _E1, _N1)

    return _sc_decode




def kernel(node_indices, attn_matrix, edge_label_index, emb_table, W1, b1, W2, b2):
    idx32 = node_indices.astype(jnp.int32)
    eli = edge_label_index.astype(jnp.int32)
    pad = jnp.zeros((2, _EPAD - E), jnp.int32)
    eli_p = jnp.concatenate([eli, pad], axis=1)
    x, flat = _make_sc_prologue()(emb_table, idx32, eli_p[0], eli_p[1])

    d_row, Ar = _dnorm(attn_matrix)
    d_col = d_row.reshape(N, 1)

    h = _layer(Ar, x, d_col, W1, b1.reshape(1, HID), relu_out=True)
    z = _layer(Ar, h, d_col, W2, b2.reshape(1, OUT), relu_out=False)

    G = _gram(z)

    scores = _make_sc_decode()(G.reshape(-1), flat)
    return scores[:E]

# --- scband reference (transcript-rebuilt; emitter-appended) ---
"""Pipeline reference for scband-gcnedge-predictor-with-embeddings-80762565034207 (READ-ONLY COPY).

The authoritative reference and input builder live on the scoring server;
editing this copy changes nothing except your own understanding.
"""

import jax, jax.numpy as jnp
import numpy as np

NUM_NODES = 4096
EMB_DIM = 128
HIDDEN = 128
OUT = 64
NUM_PRED_EDGES = 1000000


def setup_inputs(seed: int = 0) -> dict:
    key = jax.random.key(seed)
    k1, k2, k3, k4, k5, k6 = jax.random.split(key, 6)
    node_indices = jnp.arange(NUM_NODES, dtype=jnp.int64 if jax.config.jax_enable_x64 else jnp.int32)
    attn_matrix = jax.random.normal(k1, (NUM_NODES, NUM_NODES), dtype=jnp.float32)
    edge_label_index = jax.random.randint(k2, (2, NUM_PRED_EDGES), 0, NUM_NODES)
    emb_table = jax.random.normal(k3, (NUM_NODES, EMB_DIM), dtype=jnp.float32)
    # GCNConv uses glorot-initialized weights and zero bias
    W1 = jax.random.normal(k4, (EMB_DIM, HIDDEN), dtype=jnp.float32) * (1.0 / np.sqrt(EMB_DIM))
    b1 = jnp.zeros((HIDDEN,), dtype=jnp.float32)
    W2 = jax.random.normal(k5, (HIDDEN, OUT), dtype=jnp.float32) * (1.0 / np.sqrt(HIDDEN))
    b2 = jnp.zeros((OUT,), dtype=jnp.float32)
    return {
        "node_indices": node_indices,
        "attn_matrix": attn_matrix,
        "edge_label_index": edge_label_index,
        "emb_table": emb_table,
        "W1": W1,
        "b1": b1,
        "W2": W2,
        "b2": b2,
    }


def _gcn_conv(x, A, W, b):
    # Equivalent to PyG GCNConv on the edge set produced by dense_to_sparse(attn_matrix)
    # with edge weights relu(attn). A random dense matrix has all entries (incl. the
    # diagonal) nonzero, so dense_to_sparse yields the full N^2 edge set and
    # add_remaining_self_loops adds nothing (self loops already present).
    # gcn_norm: deg[j] = sum_i w(i->j); norm_ij = deg^-1/2[i] * w_ij * deg^-1/2[j]
    # aggregation: out[j] = sum_i norm_ij * x_lin[i]  ==  D^-1/2 A^T D^-1/2 x_lin
    xl = x @ W
    deg = A.sum(axis=0)  # in-degree (column sums)
    d_inv_sqrt = jnp.where(deg > 0, deg ** -0.5, 0.0)
    out = d_inv_sqrt[:, None] * (A.T @ (d_inv_sqrt[:, None] * xl))
    return out + b


def reference(node_indices, attn_matrix, edge_label_index, emb_table, W1, b1, W2, b2):
    # encode
    x = jnp.take(emb_table, node_indices, axis=0)
    A = jax.nn.relu(attn_matrix)  # F.relu on edge weights; zero-weight edges contribute nothing
    x = _gcn_conv(x, A, W1, b1)
    x = jax.nn.relu(x)
    z = _gcn_conv(x, A, W2, b2)
    # decode
    node_i_emb = jnp.take(z, edge_label_index[0], axis=0)
    node_j_emb = jnp.take(z, edge_label_index[1], axis=0)
    scores = (node_i_emb * node_j_emb).sum(axis=-1)
    return scores

if __name__ == "__main__":
    import jax
    _d = setup_inputs()
    print(jax.jit(kernel)(*tuple(_d.values())))

</pallas_src>

<mosaic_0001>
#map = affine_map<(d0, d1) -> (0)>
module attributes {stable_mosaic.version = 14 : i64} {
  func.func @_sc_decode(%arg0: i32, %arg1: i32, %arg2: memref<16777216xf32, #tpu.memory_space<hbm>>, %arg3: memref<1015808xi32, #tpu.memory_space<hbm>>, %arg4: memref<1015808xf32, #tpu.memory_space<hbm>>, %arg5: memref<50176xi32, #tpu.memory_space<vmem>>, %arg6: memref<50176xf32, #tpu.memory_space<vmem>>, %arg7: memref<!tpu.dma_semaphore, #tpu.memory_space<semaphore_mem>>) attributes {dimension_semantics = [#tpu.dimension_semantics<core_parallel>, #tpu.dimension_semantics<subcore_parallel>], iteration_bounds = array<i64: 2, 16>, scalar_prefetch = 0 : i64, scratch_operands = 3 : i64, tpu.core_type = #tpu.core_type<sc_vector_subcore>, window_params = [{transform_indices = #map}, {transform_indices = #map}, {transform_indices = #map}]} {
    %eq3A = arith.constant 0 : i32
    %eq3A_0 = arith.cmpi eq, %arg0, %eq3A : i32
    %convert_element_type3A = arith.extui %eq3A_0 : i1 to i32
    %cond3A = arith.constant 0 : i32
    %cond3A_1 = arith.cmpi ne, %convert_element_type3A, %cond3A : i32
    scf.if %cond3A_1 {
      %mul3A = arith.constant 50176 : i32
      %mul3A_7 = arith.muli %arg1, %mul3A : i32
      "tpu.region"() ({
        %run_scoped3A = tpu.sem_alloc : memref<!tpu.dma_semaphore, #tpu.memory_space<semaphore_mem>>
        %dma_start3A = arith.constant 0 : i32
        %dma_start3A_13 = tpu.memref_slice %arg5[%dma_start3A] : memref<50176xi32, #tpu.memory_space<vmem>> -> memref<50176xi32, #tpu.memory_space<vmem>>
        %dma_start3A_14 = tpu.memref_slice %arg3[%mul3A_7] : memref<1015808xi32, #tpu.memory_space<hbm>> -> memref<50176xi32, #tpu.memory_space<hbm>>
        %dma_start3A_15 = arith.constant 0 : i32
        %dma_start3A_16 = tpu.memref_slice %arg5[%dma_start3A_15] : memref<50176xi32, #tpu.memory_space<vmem>> -> memref<50176xi32, #tpu.memory_space<vmem>>
        %dma_start3A_17 = tpu.memref_slice %arg3[%mul3A_7] : memref<1015808xi32, #tpu.memory_space<hbm>> -> memref<50176xi32, #tpu.memory_space<hbm>>
        tpu.enqueue_dma source(%dma_start3A_17 : memref<50176xi32, #tpu.memory_space<hbm>>) target(%dma_start3A_16 : memref<50176xi32, #tpu.memory_space<vmem>>) target_semaphore(%run_scoped3A : memref<!tpu.dma_semaphore, #tpu.memory_space<semaphore_mem>>)
        %dma_wait3A = arith.constant 0 : i32
        %dma_wait3A_18 = tpu.memref_slice %arg5[%dma_wait3A] : memref<50176xi32, #tpu.memory_space<vmem>> -> memref<50176xi32, #tpu.memory_space<vmem>>
        %dma_wait3A_19 = tpu.memref_slice %arg3[%mul3A_7] : memref<1015808xi32, #tpu.memory_space<hbm>> -> memref<50176xi32, #tpu.memory_space<hbm>>
        %dma_wait3A_20 = arith.constant 0 : i32
        %dma_wait3A_21 = tpu.memref_slice %arg5[%dma_wait3A_20] : memref<50176xi32, #tpu.memory_space<vmem>> -> memref<50176xi32, #tpu.memory_space<vmem>>
        %dma_wait3A_22 = tpu.memref_slice %arg3[%mul3A_7] : memref<1015808xi32, #tpu.memory_space<hbm>> -> memref<50176xi32, #tpu.memory_space<hbm>>
        tpu.wait_dma2 semaphore(%run_scoped3A : memref<!tpu.dma_semaphore, #tpu.memory_space<semaphore_mem>>) src(%dma_wait3A_22 : memref<50176xi32, #tpu.memory_space<hbm>>) dst(%dma_wait3A_21 : memref<50176xi32, #tpu.memory_space<vmem>>)
        tpu.yield
      }) : () -> ()
      %scan3A = arith.constant 0 : i32
      %scan3A_8 = arith.constant 0 : i32
      %scan3A_9 = arith.constant 49 : i32
      %scan3A_10 = arith.addi %scan3A_8, %scan3A_9 : i32
      %scan3A_11 = arith.constant 1 : i32
      scf.for %scan3A_13 = %scan3A_8 to %scan3A_10 step %scan3A_11  : i32 {
        %mul3A_14 = arith.constant 8 : i32
        %mul3A_15 = arith.muli %scan3A_13, %mul3A_14 : i32
        %add3A = arith.constant 0 : i32
        %add3A_16 = arith.addi %mul3A_15, %add3A : i32
        %mul3A_17 = arith.constant 128 : i32
        %mul3A_18 = arith.muli %add3A_16, %mul3A_17 : i32
        %dma_start3A = tpu.memref_slice %arg6[%mul3A_18] : memref<50176xf32, #tpu.memory_space<vmem>> -> memref<128xf32, #tpu.memory_space<vmem>>
        %dma_start3A_19 = tpu.memref_slice %arg5[%mul3A_18] : memref<50176xi32, #tpu.memory_space<vmem>> -> memref<128xi32, #tpu.memory_space<vmem>>
        %dma_start3A_20 = arith.constant 0 : i32
        %dma_start3A_21 = tpu.memref_slice %arg2[%dma_start3A_20] : memref<16777216xf32, #tpu.memory_space<hbm>> -> memref<16777216xf32, #tpu.memory_space<hbm>>
        tpu.enqueue_indirect_dma source(%dma_start3A_21 : memref<16777216xf32, #tpu.memory_space<hbm>>) target(%dma_start3A : memref<128xf32, #tpu.memory_space<vmem>>) offsets(%dma_start3A_19 : memref<128xi32, #tpu.memory_space<vmem>>) semaphore(%arg7 : memref<!tpu.dma_semaphore, #tpu.memory_space<semaphore_mem>>)
        %mul3A_22 = arith.constant 8 : i32
        %mul3A_23 = arith.muli %scan3A_13, %mul3A_22 : i32
        %add3A_24 = arith.constant 1 : i32
        %add3A_25 = arith.addi %mul3A_23, %add3A_24 : i32
        %mul3A_26 = arith.constant 128 : i32
        %mul3A_27 = arith.muli %add3A_25, %mul3A_26 : i32
        %dma_start3A_28 = tpu.memref_slice %arg6[%mul3A_27] : memref<50176xf32, #tpu.memory_space<vmem>> -> memref<128xf32, #tpu.memory_space<vmem>>
        %dma_start3A_29 = tpu.memref_slice %arg5[%mul3A_27] : memref<50176xi32, #tpu.memory_space<vmem>> -> memref<128xi32, #tpu.memory_space<vmem>>
        %dma_start3A_30 = arith.constant 0 : i32
        %dma_start3A_31 = tpu.memref_slice %arg2[%dma_start3A_30] : memref<16777216xf32, #tpu.memory_space<hbm>> -> memref<16777216xf32, #tpu.memory_space<hbm>>
        tpu.enqueue_indirect_dma source(%dma_start3A_31 : memref<16777216xf32, #tpu.memory_space<hbm>>) target(%dma_start3A_28 : memref<128xf32, #tpu.memory_space<vmem>>) offsets(%dma_start3A_29 : memref<128xi32, #tpu.memory_space<vmem>>) semaphore(%arg7 : memref<!tpu.dma_semaphore, #tpu.memory_space<semaphore_mem>>)
        %mul3A_32 = arith.constant 8 : i32
        %mul3A_33 = arith.muli %scan3A_13, %mul3A_32 : i32
        %add3A_34 = arith.constant 2 : i32
        %add3A_35 = arith.addi %mul3A_33, %add3A_34 : i32
        %mul3A_36 = arith.constant 128 : i32
        %mul3A_37 = arith.muli %add3A_35, %mul3A_36 : i32
        %dma_start3A_38 = tpu.memref_slice %arg6[%mul3A_37] : memref<50176xf32, #tpu.memory_space<vmem>> -> memref<128xf32, #tpu.memory_space<vmem>>
        %dma_start3A_39 = tpu.memref_slice %arg5[%mul3A_37] : memref<50176xi32, #tpu.memory_space<vmem>> -> memref<128xi32, #tpu.memory_space<vmem>>
        %dma_start3A_40 = arith.constant 0 : i32
        %dma_start3A_41 = tpu.memref_slice %arg2[%dma_start3A_40] : memref<16777216xf32, #tpu.memory_space<hbm>> -> memref<16777216xf32, #tpu.memory_space<hbm>>
        tpu.enqueue_indirect_dma source(%dma_start3A_41 : memref<16777216xf32, #tpu.memory_space<hbm>>) target(%dma_start3A_38 : memref<128xf32, #tpu.memory_space<vmem>>) offsets(%dma_start3A_39 : memref<128xi32, #tpu.memory_space<vmem>>) semaphore(%arg7 : memref<!tpu.dma_semaphore, #tpu.memory_space<semaphore_mem>>)
        %mul3A_42 = arith.constant 8 : i32
        %mul3A_43 = arith.muli %scan3A_13, %mul3A_42 : i32
        %add3A_44 = arith.constant 3 : i32
        %add3A_45 = arith.addi %mul3A_43, %add3A_44 : i32
        %mul3A_46 = arith.constant 128 : i32
        %mul3A_47 = arith.muli %add3A_45, %mul3A_46 : i32
        %dma_start3A_48 = tpu.memref_slice %arg6[%mul3A_47] : memref<50176xf32, #tpu.memory_space<vmem>> -> memref<128xf32, #tpu.memory_space<vmem>>
        %dma_start3A_49 = tpu.memref_slice %arg5[%mul3A_47] : memref<50176xi32, #tpu.memory_space<vmem>> -> memref<128xi32, #tpu.memory_space<vmem>>
        %dma_start3A_50 = arith.constant 0 : i32
        %dma_start3A_51 = tpu.memref_slice %arg2[%dma_start3A_50] : memref<16777216xf32, #tpu.memory_space<hbm>> -> memref<16777216xf32, #tpu.memory_space<hbm>>
        tpu.enqueue_indirect_dma source(%dma_start3A_51 : memref<16777216xf32, #tpu.memory_space<hbm>>) target(%dma_start3A_48 : memref<128xf32, #tpu.memory_space<vmem>>) offsets(%dma_start3A_49 : memref<128xi32, #tpu.memory_space<vmem>>) semaphore(%arg7 : memref<!tpu.dma_semaphore, #tpu.memory_space<semaphore_mem>>)
        %mul3A_52 = arith.constant 8 : i32
        %mul3A_53 = arith.muli %scan3A_13, %mul3A_52 : i32
        %add3A_54 = arith.constant 4 : i32
        %add3A_55 = arith.addi %mul3A_53, %add3A_54 : i32
        %mul3A_56 = arith.constant 128 : i32
        %mul3A_57 = arith.muli %add3A_55, %mul3A_56 : i32
        %dma_start3A_58 = tpu.memref_slice %arg6[%mul3A_57] : memref<50176xf32, #tpu.memory_space<vmem>> -> memref<128xf32, #tpu.memory_space<vmem>>
        %dma_start3A_59 = tpu.memref_slice %arg5[%mul3A_57] : memref<50176xi32, #tpu.memory_space<vmem>> -> memref<128xi32, #tpu.memory_space<vmem>>
        %dma_start3A_60 = arith.constant 0 : i32
        %dma_start3A_61 = tpu.memref_slice %arg2[%dma_start3A_60] : memref<16777216xf32, #tpu.memory_space<hbm>> -> memref<16777216xf32, #tpu.memory_space<hbm>>
        tpu.enqueue_indirect_dma source(%dma_start3A_61 : memref<16777216xf32, #tpu.memory_space<hbm>>) target(%dma_start3A_58 : memref<128xf32, #tpu.memory_space<vmem>>) offsets(%dma_start3A_59 : memref<128xi32, #tpu.memory_space<vmem>>) semaphore(%arg7 : memref<!tpu.dma_semaphore, #tpu.memory_space<semaphore_mem>>)
        %mul3A_62 = arith.constant 8 : i32
        %mul3A_63 = arith.muli %scan3A_13, %mul3A_62 : i32
        %add3A_64 = arith.constant 5 : i32
        %add3A_65 = arith.addi %mul3A_63, %add3A_64 : i32
        %mul3A_66 = arith.constant 128 : i32
        %mul3A_67 = arith.muli %add3A_65, %mul3A_66 : i32
        %dma_start3A_68 = tpu.memref_slice %arg6[%mul3A_67] : memref<50176xf32, #tpu.memory_space<vmem>> -> memref<128xf32, #tpu.memory_space<vmem>>
        %dma_start3A_69 = tpu.memref_slice %arg5[%mul3A_67] : memref<50176xi32, #tpu.memory_space<vmem>> -> memref<128xi32, #tpu.memory_space<vmem>>
        %dma_start3A_70 = arith.constant 0 : i32
        %dma_start3A_71 = tpu.memref_slice %arg2[%dma_start3A_70] : memref<16777216xf32, #tpu.memory_space<hbm>> -> memref<16777216xf32, #tpu.memory_space<hbm>>
        tpu.enqueue_indirect_dma source(%dma_start3A_71 : memref<16777216xf32, #tpu.memory_space<hbm>>) target(%dma_start3A_68 : memref<128xf32, #tpu.memory_space<vmem>>) offsets(%dma_start3A_69 : memref<128xi32, #tpu.memory_space<vmem>>) semaphore(%arg7 : memref<!tpu.dma_semaphore, #tpu.memory_space<semaphore_mem>>)
        %mul3A_72 = arith.constant 8 : i32
        %mul3A_73 = arith.muli %scan3A_13, %mul3A_72 : i32
        %add3A_74 = arith.constant 6 : i32
        %add3A_75 = arith.addi %mul3A_73, %add3A_74 : i32
        %mul3A_76 = arith.constant 128 : i32
        %mul3A_77 = arith.muli %add3A_75, %mul3A_76 : i32
        %dma_start3A_78 = tpu.memref_slice %arg6[%mul3A_77] : memref<50176xf32, #tpu.memory_space<vmem>> -> memref<128xf32, #tpu.memory_space<vmem>>
        %dma_start3A_79 = tpu.memref_slice %arg5[%mul3A_77] : memref<50176xi32, #tpu.memory_space<vmem>> -> memref<128xi32, #tpu.memory_space<vmem>>
        %dma_start3A_80 = arith.constant 0 : i32
        %dma_start3A_81 = tpu.memref_slice %arg2[%dma_start3A_80] : memref<16777216xf32, #tpu.memory_space<hbm>> -> memref<16777216xf32, #tpu.memory_space<hbm>>
        tpu.enqueue_indirect_dma source(%dma_start3A_81 : memref<16777216xf32, #tpu.memory_space<hbm>>) target(%dma_start3A_78 : memref<128xf32, #tpu.memory_space<vmem>>) offsets(%dma_start3A_79 : memref<128xi32, #tpu.memory_space<vmem>>) semaphore(%arg7 : memref<!tpu.dma_semaphore, #tpu.memory_space<semaphore_mem>>)
        %mul3A_82 = arith.constant 8 : i32
        %mul3A_83 = arith.muli %scan3A_13, %mul3A_82 : i32
        %add3A_84 = arith.constant 7 : i32
        %add3A_85 = arith.addi %mul3A_83, %add3A_84 : i32
        %mul3A_86 = arith.constant 128 : i32
        %mul3A_87 = arith.muli %add3A_85, %mul3A_86 : i32
        %dma_start3A_88 = tpu.memref_slice %arg6[%mul3A_87] : memref<50176xf32, #tpu.memory_space<vmem>> -> memref<128xf32, #tpu.memory_space<vmem>>
        %dma_start3A_89 = tpu.memref_slice %arg5[%mul3A_87] : memref<50176xi32, #tpu.memory_space<vmem>> -> memref<128xi32, #tpu.memory_space<vmem>>
        %dma_start3A_90 = arith.constant 0 : i32
        %dma_start3A_91 = tpu.memref_slice %arg2[%dma_start3A_90] : memref<16777216xf32, #tpu.memory_space<hbm>> -> memref<16777216xf32, #tpu.memory_space<hbm>>
        tpu.enqueue_indirect_dma source(%dma_start3A_91 : memref<16777216xf32, #tpu.memory_space<hbm>>) target(%dma_start3A_88 : memref<128xf32, #tpu.memory_space<vmem>>) offsets(%dma_start3A_89 : memref<128xi32, #tpu.memory_space<vmem>>) semaphore(%arg7 : memref<!tpu.dma_semaphore, #tpu.memory_space<semaphore_mem>>)
        %dma_wait3A = tpu.memref_slice %arg6[%mul3A_18] : memref<50176xf32, #tpu.memory_space<vmem>> -> memref<128xf32, #tpu.memory_space<vmem>>
        %dma_wait3A_92 = tpu.memref_slice %arg5[%mul3A_18] : memref<50176xi32, #tpu.memory_space<vmem>> -> memref<128xi32, #tpu.memory_space<vmem>>
        %dma_wait3A_93 = arith.constant 0 : i32
        %dma_wait3A_94 = tpu.memref_slice %arg2[%dma_wait3A_93] : memref<16777216xf32, #tpu.memory_space<hbm>> -> memref<16777216xf32, #tpu.memory_space<hbm>>
        tpu.wait_indirect_dma semaphore(%arg7 : memref<!tpu.dma_semaphore, #tpu.memory_space<semaphore_mem>>) src(%dma_wait3A_94 : memref<16777216xf32, #tpu.memory_space<hbm>>) dst(%dma_wait3A : memref<128xf32, #tpu.memory_space<vmem>>)
        %dma_wait3A_95 = tpu.memref_slice %arg6[%mul3A_27] : memref<50176xf32, #tpu.memory_space<vmem>> -> memref<128xf32, #tpu.memory_space<vmem>>
        %dma_wait3A_96 = tpu.memref_slice %arg5[%mul3A_27] : memref<50176xi32, #tpu.memory_space<vmem>> -> memref<128xi32, #tpu.memory_space<vmem>>
        %dma_wait3A_97 = arith.constant 0 : i32
        %dma_wait3A_98 = tpu.memref_slice %arg2[%dma_wait3A_97] : memref<16777216xf32, #tpu.memory_space<hbm>> -> memref<16777216xf32, #tpu.memory_space<hbm>>
        tpu.wait_indirect_dma semaphore(%arg7 : memref<!tpu.dma_semaphore, #tpu.memory_space<semaphore_mem>>) src(%dma_wait3A_98 : memref<16777216xf32, #tpu.memory_space<hbm>>) dst(%dma_wait3A_95 : memref<128xf32, #tpu.memory_space<vmem>>)
        %dma_wait3A_99 = tpu.memref_slice %arg6[%mul3A_37] : memref<50176xf32, #tpu.memory_space<vmem>> -> memref<128xf32, #tpu.memory_space<vmem>>
        %dma_wait3A_100 = tpu.memref_slice %arg5[%mul3A_37] : memref<50176xi32, #tpu.memory_space<vmem>> -> memref<128xi32, #tpu.memory_space<vmem>>
        %dma_wait3A_101 = arith.constant 0 : i32
        %dma_wait3A_102 = tpu.memref_slice %arg2[%dma_wait3A_101] : memref<16777216xf32, #tpu.memory_space<hbm>> -> memref<16777216xf32, #tpu.memory_space<hbm>>
        tpu.wait_indirect_dma semaphore(%arg7 : memref<!tpu.dma_semaphore, #tpu.memory_space<semaphore_mem>>) src(%dma_wait3A_102 : memref<16777216xf32, #tpu.memory_space<hbm>>) dst(%dma_wait3A_99 : memref<128xf32, #tpu.memory_space<vmem>>)
        %dma_wait3A_103 = tpu.memref_slice %arg6[%mul3A_47] : memref<50176xf32, #tpu.memory_space<vmem>> -> memref<128xf32, #tpu.memory_space<vmem>>
        %dma_wait3A_104 = tpu.memref_slice %arg5[%mul3A_47] : memref<50176xi32, #tpu.memory_space<vmem>> -> memref<128xi32, #tpu.memory_space<vmem>>
        %dma_wait3A_105 = arith.constant 0 : i32
        %dma_wait3A_106 = tpu.memref_slice %arg2[%dma_wait3A_105] : memref<16777216xf32, #tpu.memory_space<hbm>> -> memref<16777216xf32, #tpu.memory_space<hbm>>
        tpu.wait_indirect_dma semaphore(%arg7 : memref<!tpu.dma_semaphore, #tpu.memory_space<semaphore_mem>>) src(%dma_wait3A_106 : memref<16777216xf32, #tpu.memory_space<hbm>>) dst(%dma_wait3A_103 : memref<128xf32, #tpu.memory_space<vmem>>)
        %dma_wait3A_107 = tpu.memref_slice %arg6[%mul3A_57] : memref<50176xf32, #tpu.memory_space<vmem>> -> memref<128xf32, #tpu.memory_space<vmem>>
        %dma_wait3A_108 = tpu.memref_slice %arg5[%mul3A_57] : memref<50176xi32, #tpu.memory_space<vmem>> -> memref<128xi32, #tpu.memory_space<vmem>>
        %dma_wait3A_109 = arith.constant 0 : i32
        %dma_wait3A_110 = tpu.memref_slice %arg2[%dma_wait3A_109] : memref<16777216xf32, #tpu.memory_space<hbm>> -> memref<16777216xf32, #tpu.memory_space<hbm>>
        tpu.wait_indirect_dma semaphore(%arg7 : memref<!tpu.dma_semaphore, #tpu.memory_space<semaphore_mem>>) src(%dma_wait3A_110 : memref<16777216xf32, #tpu.memory_space<hbm>>) dst(%dma_wait3A_107 : memref<128xf32, #tpu.memory_space<vmem>>)
        %dma_wait3A_111 = tpu.memref_slice %arg6[%mul3A_67] : memref<50176xf32, #tpu.memory_space<vmem>> -> memref<128xf32, #tpu.memory_space<vmem>>
        %dma_wait3A_112 = tpu.memref_slice %arg5[%mul3A_67] : memref<50176xi32, #tpu.memory_space<vmem>> -> memref<128xi32, #tpu.memory_space<vmem>>
        %dma_wait3A_113 = arith.constant 0 : i32
        %dma_wait3A_114 = tpu.memref_slice %arg2[%dma_wait3A_113] : memref<16777216xf32, #tpu.memory_space<hbm>> -> memref<16777216xf32, #tpu.memory_space<hbm>>
        tpu.wait_indirect_dma semaphore(%arg7 : memref<!tpu.dma_semaphore, #tpu.memory_space<semaphore_mem>>) src(%dma_wait3A_114 : memref<16777216xf32, #tpu.memory_space<hbm>>) dst(%dma_wait3A_111 : memref<128xf32, #tpu.memory_space<vmem>>)
        %dma_wait3A_115 = tpu.memref_slice %arg6[%mul3A_77] : memref<50176xf32, #tpu.memory_space<vmem>> -> memref<128xf32, #tpu.memory_space<vmem>>
        %dma_wait3A_116 = tpu.memref_slice %arg5[%mul3A_77] : memref<50176xi32, #tpu.memory_space<vmem>> -> memref<128xi32, #tpu.memory_space<vmem>>
        %dma_wait3A_117 = arith.constant 0 : i32
        %dma_wait3A_118 = tpu.memref_slice %arg2[%dma_wait3A_117] : memref<16777216xf32, #tpu.memory_space<hbm>> -> memref<16777216xf32, #tpu.memory_space<hbm>>
        tpu.wait_indirect_dma semaphore(%arg7 : memref<!tpu.dma_semaphore, #tpu.memory_space<semaphore_mem>>) src(%dma_wait3A_118 : memref<16777216xf32, #tpu.memory_space<hbm>>) dst(%dma_wait3A_115 : memref<128xf32, #tpu.memory_space<vmem>>)
        %dma_wait3A_119 = tpu.memref_slice %arg6[%mul3A_87] : memref<50176xf32, #tpu.memory_space<vmem>> -> memref<128xf32, #tpu.memory_space<vmem>>
        %dma_wait3A_120 = tpu.memref_slice %arg5[%mul3A_87] : memref<50176xi32, #tpu.memory_space<vmem>> -> memref<128xi32, #tpu.memory_space<vmem>>
        %dma_wait3A_121 = arith.constant 0 : i32
        %dma_wait3A_122 = tpu.memref_slice %arg2[%dma_wait3A_121] : memref<16777216xf32, #tpu.memory_space<hbm>> -> memref<16777216xf32, #tpu.memory_space<hbm>>
        tpu.wait_indirect_dma semaphore(%arg7 : memref<!tpu.dma_semaphore, #tpu.memory_space<semaphore_mem>>) src(%dma_wait3A_122 : memref<16777216xf32, #tpu.memory_space<hbm>>) dst(%dma_wait3A_119 : memref<128xf32, #tpu.memory_space<vmem>>)
      }
      %scan3A_12 = arith.constant 49 : i32
      "tpu.region"() ({
        %run_scoped3A = tpu.sem_alloc : memref<!tpu.dma_semaphore, #tpu.memory_space<semaphore_mem>>
        %dma_start3A = arith.constant 0 : i32
        %dma_start3A_13 = tpu.memref_slice %arg6[%dma_start3A] : memref<50176xf32, #tpu.memory_space<vmem>> -> memref<50176xf32, #tpu.memory_space<vmem>>
        %dma_start3A_14 = tpu.memref_slice %arg4[%mul3A_7] : memref<1015808xf32, #tpu.memory_space<hbm>> -> memref<50176xf32, #tpu.memory_space<hbm>>
        %dma_start3A_15 = tpu.memref_slice %arg4[%mul3A_7] : memref<1015808xf32, #tpu.memory_space<hbm>> -> memref<50176xf32, #tpu.memory_space<hbm>>
        %dma_start3A_16 = arith.constant 0 : i32
        %dma_start3A_17 = tpu.memref_slice %arg6[%dma_start3A_16] : memref<50176xf32, #tpu.memory_space<vmem>> -> memref<50176xf32, #tpu.memory_space<vmem>>
        tpu.enqueue_dma source(%dma_start3A_17 : memref<50176xf32, #tpu.memory_space<vmem>>) target(%dma_start3A_15 : memref<50176xf32, #tpu.memory_space<hbm>>) target_semaphore(%run_scoped3A : memref<!tpu.dma_semaphore, #tpu.memory_space<semaphore_mem>>)
        %dma_wait3A = arith.constant 0 : i32
        %dma_wait3A_18 = tpu.memref_slice %arg6[%dma_wait3A] : memref<50176xf32, #tpu.memory_space<vmem>> -> memref<50176xf32, #tpu.memory_space<vmem>>
        %dma_wait3A_19 = tpu.memref_slice %arg4[%mul3A_7] : memref<1015808xf32, #tpu.memory_space<hbm>> -> memref<50176xf32, #tpu.memory_space<hbm>>
        %dma_wait3A_20 = tpu.memref_slice %arg4[%mul3A_7] : memref<1015808xf32, #tpu.memory_space<hbm>> -> memref<50176xf32, #tpu.memory_space<hbm>>
        %dma_wait3A_21 = arith.constant 0 : i32
        %dma_wait3A_22 = tpu.memref_slice %arg6[%dma_wait3A_21] : memref<50176xf32, #tpu.memory_space<vmem>> -> memref<50176xf32, #tpu.memory_space<vmem>>
        tpu.wait_dma2 semaphore(%run_scoped3A : memref<!tpu.dma_semaphore, #tpu.memory_space<semaphore_mem>>) src(%dma_wait3A_22 : memref<50176xf32, #tpu.memory_space<vmem>>) dst(%dma_wait3A_20 : memref<50176xf32, #tpu.memory_space<hbm>>)
        tpu.yield
      }) : () -> ()
    } else {
    }
    %eq3A_2 = arith.constant 1 : i32
    %eq3A_3 = arith.cmpi eq, %arg0, %eq3A_2 : i32
    %convert_element_type3A_4 = arith.extui %eq3A_3 : i1 to i32
    %cond3A_5 = arith.constant 0 : i32
    %cond3A_6 = arith.cmpi ne, %convert_element_type3A_4, %cond3A_5 : i32
    scf.if %cond3A_6 {
      %mul3A = arith.constant 13312 : i32
      %mul3A_7 = arith.muli %arg1, %mul3A : i32
      %add3A = arith.constant 802816 : i32
      %add3A_8 = arith.addi %add3A, %mul3A_7 : i32
      "tpu.region"() ({
        %run_scoped3A = tpu.sem_alloc : memref<!tpu.dma_semaphore, #tpu.memory_space<semaphore_mem>>
        %dma_start3A = arith.constant 0 : i32
        %dma_start3A_14 = tpu.memref_slice %arg5[%dma_start3A] : memref<50176xi32, #tpu.memory_space<vmem>> -> memref<13312xi32, #tpu.memory_space<vmem>>
        %dma_start3A_15 = tpu.memref_slice %arg3[%add3A_8] : memref<1015808xi32, #tpu.memory_space<hbm>> -> memref<13312xi32, #tpu.memory_space<hbm>>
        %dma_start3A_16 = arith.constant 0 : i32
        %dma_start3A_17 = tpu.memref_slice %arg5[%dma_start3A_16] : memref<50176xi32, #tpu.memory_space<vmem>> -> memref<13312xi32, #tpu.memory_space<vmem>>
        %dma_start3A_18 = tpu.memref_slice %arg3[%add3A_8] : memref<1015808xi32, #tpu.memory_space<hbm>> -> memref<13312xi32, #tpu.memory_space<hbm>>
        tpu.enqueue_dma source(%dma_start3A_18 : memref<13312xi32, #tpu.memory_space<hbm>>) target(%dma_start3A_17 : memref<13312xi32, #tpu.memory_space<vmem>>) target_semaphore(%run_scoped3A : memref<!tpu.dma_semaphore, #tpu.memory_space<semaphore_mem>>)
        %dma_wait3A = arith.constant 0 : i32
        %dma_wait3A_19 = tpu.memref_slice %arg5[%dma_wait3A] : memref<50176xi32, #tpu.memory_space<vmem>> -> memref<13312xi32, #tpu.memory_space<vmem>>
        %dma_wait3A_20 = tpu.memref_slice %arg3[%add3A_8] : memref<1015808xi32, #tpu.memory_space<hbm>> -> memref<13312xi32, #tpu.memory_space<hbm>>
        %dma_wait3A_21 = arith.constant 0 : i32
        %dma_wait3A_22 = tpu.memref_slice %arg5[%dma_wait3A_21] : memref<50176xi32, #tpu.memory_space<vmem>> -> memref<13312xi32, #tpu.memory_space<vmem>>
        %dma_wait3A_23 = tpu.memref_slice %arg3[%add3A_8] : memref<1015808xi32, #tpu.memory_space<hbm>> -> memref<13312xi32, #tpu.memory_space<hbm>>
        tpu.wait_dma2 semaphore(%run_scoped3A : memref<!tpu.dma_semaphore, #tpu.memory_space<semaphore_mem>>) src(%dma_wait3A_23 : memref<13312xi32, #tpu.memory_space<hbm>>) dst(%dma_wait3A_22 : memref<13312xi32, #tpu.memory_space<vmem>>)
        tpu.yield
      }) : () -> ()
      %scan3A = arith.constant 0 : i32
      %scan3A_9 = arith.constant 0 : i32
      %scan3A_10 = arith.constant 13 : i32
      %scan3A_11 = arith.addi %scan3A_9, %scan3A_10 : i32
      %scan3A_12 = arith.constant 1 : i32
      scf.for %scan3A_14 = %scan3A_9 to %scan3A_11 step %scan3A_12  : i32 {
        %mul3A_15 = arith.constant 8 : i32
        %mul3A_16 = arith.muli %scan3A_14, %mul3A_15 : i32
        %add3A_17 = arith.constant 0 : i32
        %add3A_18 = arith.addi %mul3A_16, %add3A_17 : i32
        %mul3A_19 = arith.constant 128 : i32
        %mul3A_20 = arith.muli %add3A_18, %mul3A_19 : i32
        %dma_start3A = tpu.memref_slice %arg6[%mul3A_20] : memref<50176xf32, #tpu.memory_space<vmem>> -> memref<128xf32, #tpu.memory_space<vmem>>
        %dma_start3A_21 = tpu.memref_slice %arg5[%mul3A_20] : memref<50176xi32, #tpu.memory_space<vmem>> -> memref<128xi32, #tpu.memory_space<vmem>>
        %dma_start3A_22 = arith.constant 0 : i32
        %dma_start3A_23 = tpu.memref_slice %arg2[%dma_start3A_22] : memref<16777216xf32, #tpu.memory_space<hbm>> -> memref<16777216xf32, #tpu.memory_space<hbm>>
        tpu.enqueue_indirect_dma source(%dma_start3A_23 : memref<16777216xf32, #tpu.memory_space<hbm>>) target(%dma_start3A : memref<128xf32, #tpu.memory_space<vmem>>) offsets(%dma_start3A_21 : memref<128xi32, #tpu.memory_space<vmem>>) semaphore(%arg7 : memref<!tpu.dma_semaphore, #tpu.memory_space<semaphore_mem>>)
        %mul3A_24 = arith.constant 8 : i32
        %mul3A_25 = arith.muli %scan3A_14, %mul3A_24 : i32
        %add3A_26 = arith.constant 1 : i32
        %add3A_27 = arith.addi %mul3A_25, %add3A_26 : i32
        %mul3A_28 = arith.constant 128 : i32
        %mul3A_29 = arith.muli %add3A_27, %mul3A_28 : i32
        %dma_start3A_30 = tpu.memref_slice %arg6[%mul3A_29] : memref<50176xf32, #tpu.memory_space<vmem>> -> memref<128xf32, #tpu.memory_space<vmem>>
        %dma_start3A_31 = tpu.memref_slice %arg5[%mul3A_29] : memref<50176xi32, #tpu.memory_space<vmem>> -> memref<128xi32, #tpu.memory_space<vmem>>
        %dma_start3A_32 = arith.constant 0 : i32
        %dma_start3A_33 = tpu.memref_slice %arg2[%dma_start3A_32] : memref<16777216xf32, #tpu.memory_space<hbm>> -> memref<16777216xf32, #tpu.memory_space<hbm>>
        tpu.enqueue_indirect_dma source(%dma_start3A_33 : memref<16777216xf32, #tpu.memory_space<hbm>>) target(%dma_start3A_30 : memref<128xf32, #tpu.memory_space<vmem>>) offsets(%dma_start3A_31 : memref<128xi32, #tpu.memory_space<vmem>>) semaphore(%arg7 : memref<!tpu.dma_semaphore, #tpu.memory_space<semaphore_mem>>)
        %mul3A_34 = arith.constant 8 : i32
        %mul3A_35 = arith.muli %scan3A_14, %mul3A_34 : i32
        %add3A_36 = arith.constant 2 : i32
        %add3A_37 = arith.addi %mul3A_35, %add3A_36 : i32
        %mul3A_38 = arith.constant 128 : i32
        %mul3A_39 = arith.muli %add3A_37, %mul3A_38 : i32
        %dma_start3A_40 = tpu.memref_slice %arg6[%mul3A_39] : memref<50176xf32, #tpu.memory_space<vmem>> -> memref<128xf32, #tpu.memory_space<vmem>>
        %dma_start3A_41 = tpu.memref_slice %arg5[%mul3A_39] : memref<50176xi32, #tpu.memory_space<vmem>> -> memref<128xi32, #tpu.memory_space<vmem>>
        %dma_start3A_42 = arith.constant 0 : i32
        %dma_start3A_43 = tpu.memref_slice %arg2[%dma_start3A_42] : memref<16777216xf32, #tpu.memory_space<hbm>> -> memref<16777216xf32, #tpu.memory_space<hbm>>
        tpu.enqueue_indirect_dma source(%dma_start3A_43 : memref<16777216xf32, #tpu.memory_space<hbm>>) target(%dma_start3A_40 : memref<128xf32, #tpu.memory_space<vmem>>) offsets(%dma_start3A_41 : memref<128xi32, #tpu.memory_space<vmem>>) semaphore(%arg7 : memref<!tpu.dma_semaphore, #tpu.memory_space<semaphore_mem>>)
        %mul3A_44 = arith.constant 8 : i32
        %mul3A_45 = arith.muli %scan3A_14, %mul3A_44 : i32
        %add3A_46 = arith.constant 3 : i32
        %add3A_47 = arith.addi %mul3A_45, %add3A_46 : i32
        %mul3A_48 = arith.constant 128 : i32
        %mul3A_49 = arith.muli %add3A_47, %mul3A_48 : i32
        %dma_start3A_50 = tpu.memref_slice %arg6[%mul3A_49] : memref<50176xf32, #tpu.memory_space<vmem>> -> memref<128xf32, #tpu.memory_space<vmem>>
        %dma_start3A_51 = tpu.memref_slice %arg5[%mul3A_49] : memref<50176xi32, #tpu.memory_space<vmem>> -> memref<128xi32, #tpu.memory_space<vmem>>
        %dma_start3A_52 = arith.constant 0 : i32
        %dma_start3A_53 = tpu.memref_slice %arg2[%dma_start3A_52] : memref<16777216xf32, #tpu.memory_space<hbm>> -> memref<16777216xf32, #tpu.memory_space<hbm>>
        tpu.enqueue_indirect_dma source(%dma_start3A_53 : memref<16777216xf32, #tpu.memory_space<hbm>>) target(%dma_start3A_50 : memref<128xf32, #tpu.memory_space<vmem>>) offsets(%dma_start3A_51 : memref<128xi32, #tpu.memory_space<vmem>>) semaphore(%arg7 : memref<!tpu.dma_semaphore, #tpu.memory_space<semaphore_mem>>)
        %mul3A_54 = arith.constant 8 : i32
        %mul3A_55 = arith.muli %scan3A_14, %mul3A_54 : i32
        %add3A_56 = arith.constant 4 : i32
        %add3A_57 = arith.addi %mul3A_55, %add3A_56 : i32
        %mul3A_58 = arith.constant 128 : i32
        %mul3A_59 = arith.muli %add3A_57, %mul3A_58 : i32
        %dma_start3A_60 = tpu.memref_slice %arg6[%mul3A_59] : memref<50176xf32, #tpu.memory_space<vmem>> -> memref<128xf32, #tpu.memory_space<vmem>>
        %dma_start3A_61 = tpu.memref_slice %arg5[%mul3A_59] : memref<50176xi32, #tpu.memory_space<vmem>> -> memref<128xi32, #tpu.memory_space<vmem>>
        %dma_start3A_62 = arith.constant 0 : i32
        %dma_start3A_63 = tpu.memref_slice %arg2[%dma_start3A_62] : memref<16777216xf32, #tpu.memory_space<hbm>> -> memref<16777216xf32, #tpu.memory_space<hbm>>
        tpu.enqueue_indirect_dma source(%dma_start3A_63 : memref<16777216xf32, #tpu.memory_space<hbm>>) target(%dma_start3A_60 : memref<128xf32, #tpu.memory_space<vmem>>) offsets(%dma_start3A_61 : memref<128xi32, #tpu.memory_space<vmem>>) semaphore(%arg7 : memref<!tpu.dma_semaphore, #tpu.memory_space<semaphore_mem>>)
        %mul3A_64 = arith.constant 8 : i32
        %mul3A_65 = arith.muli %scan3A_14, %mul3A_64 : i32
        %add3A_66 = arith.constant 5 : i32
        %add3A_67 = arith.addi %mul3A_65, %add3A_66 : i32
        %mul3A_68 = arith.constant 128 : i32
        %mul3A_69 = arith.muli %add3A_67, %mul3A_68 : i32
        %dma_start3A_70 = tpu.memref_slice %arg6[%mul3A_69] : memref<50176xf32, #tpu.memory_space<vmem>> -> memref<128xf32, #tpu.memory_space<vmem>>
        %dma_start3A_71 = tpu.memref_slice %arg5[%mul3A_69] : memref<50176xi32, #tpu.memory_space<vmem>> -> memref<128xi32, #tpu.memory_space<vmem>>
        %dma_start3A_72 = arith.constant 0 : i32
        %dma_start3A_73 = tpu.memref_slice %arg2[%dma_start3A_72] : memref<16777216xf32, #tpu.memory_space<hbm>> -> memref<16777216xf32, #tpu.memory_space<hbm>>
        tpu.enqueue_indirect_dma source(%dma_start3A_73 : memref<16777216xf32, #tpu.memory_space<hbm>>) target(%dma_start3A_70 : memref<128xf32, #tpu.memory_space<vmem>>) offsets(%dma_start3A_71 : memref<128xi32, #tpu.memory_space<vmem>>) semaphore(%arg7 : memref<!tpu.dma_semaphore, #tpu.memory_space<semaphore_mem>>)
        %mul3A_74 = arith.constant 8 : i32
        %mul3A_75 = arith.muli %scan3A_14, %mul3A_74 : i32
        %add3A_76 = arith.constant 6 : i32
        %add3A_77 = arith.addi %mul3A_75, %add3A_76 : i32
        %mul3A_78 = arith.constant 128 : i32
        %mul3A_79 = arith.muli %add3A_77, %mul3A_78 : i32
        %dma_start3A_80 = tpu.memref_slice %arg6[%mul3A_79] : memref<50176xf32, #tpu.memory_space<vmem>> -> memref<128xf32, #tpu.memory_space<vmem>>
        %dma_start3A_81 = tpu.memref_slice %arg5[%mul3A_79] : memref<50176xi32, #tpu.memory_space<vmem>> -> memref<128xi32, #tpu.memory_space<vmem>>
        %dma_start3A_82 = arith.constant 0 : i32
        %dma_start3A_83 = tpu.memref_slice %arg2[%dma_start3A_82] : memref<16777216xf32, #tpu.memory_space<hbm>> -> memref<16777216xf32, #tpu.memory_space<hbm>>
        tpu.enqueue_indirect_dma source(%dma_start3A_83 : memref<16777216xf32, #tpu.memory_space<hbm>>) target(%dma_start3A_80 : memref<128xf32, #tpu.memory_space<vmem>>) offsets(%dma_start3A_81 : memref<128xi32, #tpu.memory_space<vmem>>) semaphore(%arg7 : memref<!tpu.dma_semaphore, #tpu.memory_space<semaphore_mem>>)
        %mul3A_84 = arith.constant 8 : i32
        %mul3A_85 = arith.muli %scan3A_14, %mul3A_84 : i32
        %add3A_86 = arith.constant 7 : i32
        %add3A_87 = arith.addi %mul3A_85, %add3A_86 : i32
        %mul3A_88 = arith.constant 128 : i32
        %mul3A_89 = arith.muli %add3A_87, %mul3A_88 : i32
        %dma_start3A_90 = tpu.memref_slice %arg6[%mul3A_89] : memref<50176xf32, #tpu.memory_space<vmem>> -> memref<128xf32, #tpu.memory_space<vmem>>
        %dma_start3A_91 = tpu.memref_slice %arg5[%mul3A_89] : memref<50176xi32, #tpu.memory_space<vmem>> -> memref<128xi32, #tpu.memory_space<vmem>>
        %dma_start3A_92 = arith.constant 0 : i32
        %dma_start3A_93 = tpu.memref_slice %arg2[%dma_start3A_92] : memref<16777216xf32, #tpu.memory_space<hbm>> -> memref<16777216xf32, #tpu.memory_space<hbm>>
        tpu.enqueue_indirect_dma source(%dma_start3A_93 : memref<16777216xf32, #tpu.memory_space<hbm>>) target(%dma_start3A_90 : memref<128xf32, #tpu.memory_space<vmem>>) offsets(%dma_start3A_91 : memref<128xi32, #tpu.memory_space<vmem>>) semaphore(%arg7 : memref<!tpu.dma_semaphore, #tpu.memory_space<semaphore_mem>>)
        %dma_wait3A = tpu.memref_slice %arg6[%mul3A_20] : memref<50176xf32, #tpu.memory_space<vmem>> -> memref<128xf32, #tpu.memory_space<vmem>>
        %dma_wait3A_94 = tpu.memref_slice %arg5[%mul3A_20] : memref<50176xi32, #tpu.memory_space<vmem>> -> memref<128xi32, #tpu.memory_space<vmem>>
        %dma_wait3A_95 = arith.constant 0 : i32
        %dma_wait3A_96 = tpu.memref_slice %arg2[%dma_wait3A_95] : memref<16777216xf32, #tpu.memory_space<hbm>> -> memref<16777216xf32, #tpu.memory_space<hbm>>
        tpu.wait_indirect_dma semaphore(%arg7 : memref<!tpu.dma_semaphore, #tpu.memory_space<semaphore_mem>>) src(%dma_wait3A_96 : memref<16777216xf32, #tpu.memory_space<hbm>>) dst(%dma_wait3A : memref<128xf32, #tpu.memory_space<vmem>>)
        %dma_wait3A_97 = tpu.memref_slice %arg6[%mul3A_29] : memref<50176xf32, #tpu.memory_space<vmem>> -> memref<128xf32, #tpu.memory_space<vmem>>
        %dma_wait3A_98 = tpu.memref_slice %arg5[%mul3A_29] : memref<50176xi32, #tpu.memory_space<vmem>> -> memref<128xi32, #tpu.memory_space<vmem>>
        %dma_wait3A_99 = arith.constant 0 : i32
        %dma_wait3A_100 = tpu.memref_slice %arg2[%dma_wait3A_99] : memref<16777216xf32, #tpu.memory_space<hbm>> -> memref<16777216xf32, #tpu.memory_space<hbm>>
        tpu.wait_indirect_dma semaphore(%arg7 : memref<!tpu.dma_semaphore, #tpu.memory_space<semaphore_mem>>) src(%dma_wait3A_100 : memref<16777216xf32, #tpu.memory_space<hbm>>) dst(%dma_wait3A_97 : memref<128xf32, #tpu.memory_space<vmem>>)
        %dma_wait3A_101 = tpu.memref_slice %arg6[%mul3A_39] : memref<50176xf32, #tpu.memory_space<vmem>> -> memref<128xf32, #tpu.memory_space<vmem>>
        %dma_wait3A_102 = tpu.memref_slice %arg5[%mul3A_39] : memref<50176xi32, #tpu.memory_space<vmem>> -> memref<128xi32, #tpu.memory_space<vmem>>
        %dma_wait3A_103 = arith.constant 0 : i32
        %dma_wait3A_104 = tpu.memref_slice %arg2[%dma_wait3A_103] : memref<16777216xf32, #tpu.memory_space<hbm>> -> memref<16777216xf32, #tpu.memory_space<hbm>>
        tpu.wait_indirect_dma semaphore(%arg7 : memref<!tpu.dma_semaphore, #tpu.memory_space<semaphore_mem>>) src(%dma_wait3A_104 : memref<16777216xf32, #tpu.memory_space<hbm>>) dst(%dma_wait3A_101 : memref<128xf32, #tpu.memory_space<vmem>>)
        %dma_wait3A_105 = tpu.memref_slice %arg6[%mul3A_49] : memref<50176xf32, #tpu.memory_space<vmem>> -> memref<128xf32, #tpu.memory_space<vmem>>
        %dma_wait3A_106 = tpu.memref_slice %arg5[%mul3A_49] : memref<50176xi32, #tpu.memory_space<vmem>> -> memref<128xi32, #tpu.memory_space<vmem>>
        %dma_wait3A_107 = arith.constant 0 : i32
        %dma_wait3A_108 = tpu.memref_slice %arg2[%dma_wait3A_107] : memref<16777216xf32, #tpu.memory_space<hbm>> -> memref<16777216xf32, #tpu.memory_space<hbm>>
        tpu.wait_indirect_dma semaphore(%arg7 : memref<!tpu.dma_semaphore, #tpu.memory_space<semaphore_mem>>) src(%dma_wait3A_108 : memref<16777216xf32, #tpu.memory_space<hbm>>) dst(%dma_wait3A_105 : memref<128xf32, #tpu.memory_space<vmem>>)
        %dma_wait3A_109 = tpu.memref_slice %arg6[%mul3A_59] : memref<50176xf32, #tpu.memory_space<vmem>> -> memref<128xf32, #tpu.memory_space<vmem>>
        %dma_wait3A_110 = tpu.memref_slice %arg5[%mul3A_59] : memref<50176xi32, #tpu.memory_space<vmem>> -> memref<128xi32, #tpu.memory_space<vmem>>
        %dma_wait3A_111 = arith.constant 0 : i32
        %dma_wait3A_112 = tpu.memref_slice %arg2[%dma_wait3A_111] : memref<16777216xf32, #tpu.memory_space<hbm>> -> memref<16777216xf32, #tpu.memory_space<hbm>>
        tpu.wait_indirect_dma semaphore(%arg7 : memref<!tpu.dma_semaphore, #tpu.memory_space<semaphore_mem>>) src(%dma_wait3A_112 : memref<16777216xf32, #tpu.memory_space<hbm>>) dst(%dma_wait3A_109 : memref<128xf32, #tpu.memory_space<vmem>>)
        %dma_wait3A_113 = tpu.memref_slice %arg6[%mul3A_69] : memref<50176xf32, #tpu.memory_space<vmem>> -> memref<128xf32, #tpu.memory_space<vmem>>
        %dma_wait3A_114 = tpu.memref_slice %arg5[%mul3A_69] : memref<50176xi32, #tpu.memory_space<vmem>> -> memref<128xi32, #tpu.memory_space<vmem>>
        %dma_wait3A_115 = arith.constant 0 : i32
        %dma_wait3A_116 = tpu.memref_slice %arg2[%dma_wait3A_115] : memref<16777216xf32, #tpu.memory_space<hbm>> -> memref<16777216xf32, #tpu.memory_space<hbm>>
        tpu.wait_indirect_dma semaphore(%arg7 : memref<!tpu.dma_semaphore, #tpu.memory_space<semaphore_mem>>) src(%dma_wait3A_116 : memref<16777216xf32, #tpu.memory_space<hbm>>) dst(%dma_wait3A_113 : memref<128xf32, #tpu.memory_space<vmem>>)
        %dma_wait3A_117 = tpu.memref_slice %arg6[%mul3A_79] : memref<50176xf32, #tpu.memory_space<vmem>> -> memref<128xf32, #tpu.memory_space<vmem>>
        %dma_wait3A_118 = tpu.memref_slice %arg5[%mul3A_79] : memref<50176xi32, #tpu.memory_space<vmem>> -> memref<128xi32, #tpu.memory_space<vmem>>
        %dma_wait3A_119 = arith.constant 0 : i32
        %dma_wait3A_120 = tpu.memref_slice %arg2[%dma_wait3A_119] : memref<16777216xf32, #tpu.memory_space<hbm>> -> memref<16777216xf32, #tpu.memory_space<hbm>>
        tpu.wait_indirect_dma semaphore(%arg7 : memref<!tpu.dma_semaphore, #tpu.memory_space<semaphore_mem>>) src(%dma_wait3A_120 : memref<16777216xf32, #tpu.memory_space<hbm>>) dst(%dma_wait3A_117 : memref<128xf32, #tpu.memory_space<vmem>>)
        %dma_wait3A_121 = tpu.memref_slice %arg6[%mul3A_89] : memref<50176xf32, #tpu.memory_space<vmem>> -> memref<128xf32, #tpu.memory_space<vmem>>
        %dma_wait3A_122 = tpu.memref_slice %arg5[%mul3A_89] : memref<50176xi32, #tpu.memory_space<vmem>> -> memref<128xi32, #tpu.memory_space<vmem>>
        %dma_wait3A_123 = arith.constant 0 : i32
        %dma_wait3A_124 = tpu.memref_slice %arg2[%dma_wait3A_123] : memref<16777216xf32, #tpu.memory_space<hbm>> -> memref<16777216xf32, #tpu.memory_space<hbm>>
        tpu.wait_indirect_dma semaphore(%arg7 : memref<!tpu.dma_semaphore, #tpu.memory_space<semaphore_mem>>) src(%dma_wait3A_124 : memref<16777216xf32, #tpu.memory_space<hbm>>) dst(%dma_wait3A_121 : memref<128xf32, #tpu.memory_space<vmem>>)
      }
      %scan3A_13 = arith.constant 13 : i32
      "tpu.region"() ({
        %run_scoped3A = tpu.sem_alloc : memref<!tpu.dma_semaphore, #tpu.memory_space<semaphore_mem>>
        %dma_start3A = arith.constant 0 : i32
        %dma_start3A_14 = tpu.memref_slice %arg6[%dma_start3A] : memref<50176xf32, #tpu.memory_space<vmem>> -> memref<13312xf32, #tpu.memory_space<vmem>>
        %dma_start3A_15 = tpu.memref_slice %arg4[%add3A_8] : memref<1015808xf32, #tpu.memory_space<hbm>> -> memref<13312xf32, #tpu.memory_space<hbm>>
        %dma_start3A_16 = tpu.memref_slice %arg4[%add3A_8] : memref<1015808xf32, #tpu.memory_space<hbm>> -> memref<13312xf32, #tpu.memory_space<hbm>>
        %dma_start3A_17 = arith.constant 0 : i32
        %dma_start3A_18 = tpu.memref_slice %arg6[%dma_start3A_17] : memref<50176xf32, #tpu.memory_space<vmem>> -> memref<13312xf32, #tpu.memory_space<vmem>>
        tpu.enqueue_dma source(%dma_start3A_18 : memref<13312xf32, #tpu.memory_space<vmem>>) target(%dma_start3A_16 : memref<13312xf32, #tpu.memory_space<hbm>>) target_semaphore(%run_scoped3A : memref<!tpu.dma_semaphore, #tpu.memory_space<semaphore_mem>>)
        %dma_wait3A = arith.constant 0 : i32
        %dma_wait3A_19 = tpu.memref_slice %arg6[%dma_wait3A] : memref<50176xf32, #tpu.memory_space<vmem>> -> memref<13312xf32, #tpu.memory_space<vmem>>
        %dma_wait3A_20 = tpu.memref_slice %arg4[%add3A_8] : memref<1015808xf32, #tpu.memory_space<hbm>> -> memref<13312xf32, #tpu.memory_space<hbm>>
        %dma_wait3A_21 = tpu.memref_slice %arg4[%add3A_8] : memref<1015808xf32, #tpu.memory_space<hbm>> -> memref<13312xf32, #tpu.memory_space<hbm>>
        %dma_wait3A_22 = arith.constant 0 : i32
        %dma_wait3A_23 = tpu.memref_slice %arg6[%dma_wait3A_22] : memref<50176xf32, #tpu.memory_space<vmem>> -> memref<13312xf32, #tpu.memory_space<vmem>>
        tpu.wait_dma2 semaphore(%run_scoped3A : memref<!tpu.dma_semaphore, #tpu.memory_space<semaphore_mem>>) src(%dma_wait3A_23 : memref<13312xf32, #tpu.memory_space<vmem>>) dst(%dma_wait3A_21 : memref<13312xf32, #tpu.memory_space<hbm>>)
        tpu.yield
      }) : () -> ()
    } else {
    }
    return
  }
}

#map = affine_map<(d0, d1) -> (0, 0)>
#map1 = affine_map<(d0, d1) -> (0)>
module attributes {stable_mosaic.version = 14 : i64} {
  func.func @_sc_prologue(%arg0: i32, %arg1: i32, %arg2: memref<4096x128xf32, #tpu.memory_space<hbm>>, %arg3: memref<4096xi32, #tpu.memory_space<hbm>>, %arg4: memref<1015808xi32, #tpu.memory_space<hbm>>, %arg5: memref<1015808xi32, #tpu.memory_space<hbm>>, %arg6: memref<4096x128xf32, #tpu.memory_space<hbm>>, %arg7: memref<1015808xi32, #tpu.memory_space<hbm>>, %arg8: memref<128xi32, #tpu.memory_space<vmem>>, %arg9: memref<128x128xf32, #tpu.memory_space<vmem>>, %arg10: memref<50176xi32, #tpu.memory_space<vmem>>, %arg11: memref<50176xi32, #tpu.memory_space<vmem>>, %arg12: memref<!tpu.dma_semaphore, #tpu.memory_space<semaphore_mem>>) attributes {dimension_semantics = [#tpu.dimension_semantics<core_parallel>, #tpu.dimension_semantics<subcore_parallel>], iteration_bounds = array<i64: 2, 16>, scalar_prefetch = 0 : i64, scratch_operands = 5 : i64, tpu.core_type = #tpu.core_type<sc_vector_subcore>, window_params = [{transform_indices = #map}, {transform_indices = #map1}, {transform_indices = #map1}, {transform_indices = #map1}, {transform_indices = #map}, {transform_indices = #map1}]} {
    %mul3A = arith.constant 2 : i32
    %mul3A_0 = arith.muli %arg1, %mul3A : i32
    %add3A = arith.addi %mul3A_0, %arg0 : i32
    %mul3A_1 = arith.constant 128 : i32
    %mul3A_2 = arith.muli %add3A, %mul3A_1 : i32
    "tpu.region"() ({
      %run_scoped3A = tpu.sem_alloc : memref<!tpu.dma_semaphore, #tpu.memory_space<semaphore_mem>>
      %dma_start3A_14 = tpu.memref_slice %arg3[%mul3A_2] : memref<4096xi32, #tpu.memory_space<hbm>> -> memref<128xi32, #tpu.memory_space<hbm>>
      %dma_start3A_15 = tpu.memref_slice %arg3[%mul3A_2] : memref<4096xi32, #tpu.memory_space<hbm>> -> memref<128xi32, #tpu.memory_space<hbm>>
      tpu.enqueue_dma source(%dma_start3A_15 : memref<128xi32, #tpu.memory_space<hbm>>) target(%arg8 : memref<128xi32, #tpu.memory_space<vmem>>) target_semaphore(%run_scoped3A : memref<!tpu.dma_semaphore, #tpu.memory_space<semaphore_mem>>)
      %dma_wait3A_16 = tpu.memref_slice %arg3[%mul3A_2] : memref<4096xi32, #tpu.memory_space<hbm>> -> memref<128xi32, #tpu.memory_space<hbm>>
      %dma_wait3A_17 = tpu.memref_slice %arg3[%mul3A_2] : memref<4096xi32, #tpu.memory_space<hbm>> -> memref<128xi32, #tpu.memory_space<hbm>>
      tpu.wait_dma2 semaphore(%run_scoped3A : memref<!tpu.dma_semaphore, #tpu.memory_space<semaphore_mem>>) src(%dma_wait3A_17 : memref<128xi32, #tpu.memory_space<hbm>>) dst(%arg8 : memref<128xi32, #tpu.memory_space<vmem>>)
      tpu.yield
    }) : () -> ()
    %dma_start3A = arith.constant 0 : i32
    %dma_start3A_3 = arith.constant 0 : i32
    %dma_start3A_4 = tpu.memref_slice %arg2[%dma_start3A, %dma_start3A_3] : memref<4096x128xf32, #tpu.memory_space<hbm>> -> memref<4096x128xf32, #tpu.memory_space<hbm>>
    tpu.enqueue_indirect_dma source(%dma_start3A_4 : memref<4096x128xf32, #tpu.memory_space<hbm>>) target(%arg9 : memref<128x128xf32, #tpu.memory_space<vmem>>) offsets(%arg8 : memref<128xi32, #tpu.memory_space<vmem>>) semaphore(%arg12 : memref<!tpu.dma_semaphore, #tpu.memory_space<semaphore_mem>>)
    %dma_wait3A = arith.constant 0 : i32
    %dma_wait3A_5 = arith.constant 0 : i32
    %dma_wait3A_6 = tpu.memref_slice %arg2[%dma_wait3A, %dma_wait3A_5] : memref<4096x128xf32, #tpu.memory_space<hbm>> -> memref<4096x128xf32, #tpu.memory_space<hbm>>
    tpu.wait_indirect_dma semaphore(%arg12 : memref<!tpu.dma_semaphore, #tpu.memory_space<semaphore_mem>>) src(%dma_wait3A_6 : memref<4096x128xf32, #tpu.memory_space<hbm>>) dst(%arg9 : memref<128x128xf32, #tpu.memory_space<vmem>>)
    "tpu.region"() ({
      %run_scoped3A = tpu.sem_alloc : memref<!tpu.dma_semaphore, #tpu.memory_space<semaphore_mem>>
      %dma_start3A_14 = arith.constant 0 : i32
      %dma_start3A_15 = tpu.memref_slice %arg6[%mul3A_2, %dma_start3A_14] : memref<4096x128xf32, #tpu.memory_space<hbm>> -> memref<128x128xf32, #tpu.memory_space<hbm>>
      %dma_start3A_16 = arith.constant 0 : i32
      %dma_start3A_17 = tpu.memref_slice %arg6[%mul3A_2, %dma_start3A_16] : memref<4096x128xf32, #tpu.memory_space<hbm>> -> memref<128x128xf32, #tpu.memory_space<hbm>>
      tpu.enqueue_dma source(%arg9 : memref<128x128xf32, #tpu.memory_space<vmem>>) target(%dma_start3A_17 : memref<128x128xf32, #tpu.memory_space<hbm>>) target_semaphore(%run_scoped3A : memref<!tpu.dma_semaphore, #tpu.memory_space<semaphore_mem>>)
      %dma_wait3A_18 = arith.constant 0 : i32
      %dma_wait3A_19 = tpu.memref_slice %arg6[%mul3A_2, %dma_wait3A_18] : memref<4096x128xf32, #tpu.memory_space<hbm>> -> memref<128x128xf32, #tpu.memory_space<hbm>>
      %dma_wait3A_20 = arith.constant 0 : i32
      %dma_wait3A_21 = tpu.memref_slice %arg6[%mul3A_2, %dma_wait3A_20] : memref<4096x128xf32, #tpu.memory_space<hbm>> -> memref<128x128xf32, #tpu.memory_space<hbm>>
      tpu.wait_dma2 semaphore(%run_scoped3A : memref<!tpu.dma_semaphore, #tpu.memory_space<semaphore_mem>>) src(%arg9 : memref<128x128xf32, #tpu.memory_space<vmem>>) dst(%dma_wait3A_21 : memref<128x128xf32, #tpu.memory_space<hbm>>)
      tpu.yield
    }) : () -> ()
    %eq3A = arith.constant 0 : i32
    %eq3A_7 = arith.cmpi eq, %arg0, %eq3A : i32
    %convert_element_type3A = arith.extui %eq3A_7 : i1 to i32
    %cond3A = arith.constant 0 : i32
    %cond3A_8 = arith.cmpi ne, %convert_element_type3A, %cond3A : i32
    scf.if %cond3A_8 {
      %mul3A_14 = arith.constant 50176 : i32
      %mul3A_15 = arith.muli %arg1, %mul3A_14 : i32
      "tpu.region"() ({
        %run_scoped3A = tpu.sem_alloc : memref<!tpu.dma_semaphore, #tpu.memory_space<semaphore_mem>>
        %dma_start3A_21 = arith.constant 0 : i32
        %dma_start3A_22 = tpu.memref_slice %arg10[%dma_start3A_21] : memref<50176xi32, #tpu.memory_space<vmem>> -> memref<50176xi32, #tpu.memory_space<vmem>>
        %dma_start3A_23 = tpu.memref_slice %arg4[%mul3A_15] : memref<1015808xi32, #tpu.memory_space<hbm>> -> memref<50176xi32, #tpu.memory_space<hbm>>
        %dma_start3A_24 = arith.constant 0 : i32
        %dma_start3A_25 = tpu.memref_slice %arg10[%dma_start3A_24] : memref<50176xi32, #tpu.memory_space<vmem>> -> memref<50176xi32, #tpu.memory_space<vmem>>
        %dma_start3A_26 = tpu.memref_slice %arg4[%mul3A_15] : memref<1015808xi32, #tpu.memory_space<hbm>> -> memref<50176xi32, #tpu.memory_space<hbm>>
        tpu.enqueue_dma source(%dma_start3A_26 : memref<50176xi32, #tpu.memory_space<hbm>>) target(%dma_start3A_25 : memref<50176xi32, #tpu.memory_space<vmem>>) target_semaphore(%run_scoped3A : memref<!tpu.dma_semaphore, #tpu.memory_space<semaphore_mem>>)
        %dma_wait3A_27 = arith.constant 0 : i32
        %dma_wait3A_28 = tpu.memref_slice %arg10[%dma_wait3A_27] : memref<50176xi32, #tpu.memory_space<vmem>> -> memref<50176xi32, #tpu.memory_space<vmem>>
        %dma_wait3A_29 = tpu.memref_slice %arg4[%mul3A_15] : memref<1015808xi32, #tpu.memory_space<hbm>> -> memref<50176xi32, #tpu.memory_space<hbm>>
        %dma_wait3A_30 = arith.constant 0 : i32
        %dma_wait3A_31 = tpu.memref_slice %arg10[%dma_wait3A_30] : memref<50176xi32, #tpu.memory_space<vmem>> -> memref<50176xi32, #tpu.memory_space<vmem>>
        %dma_wait3A_32 = tpu.memref_slice %arg4[%mul3A_15] : memref<1015808xi32, #tpu.memory_space<hbm>> -> memref<50176xi32, #tpu.memory_space<hbm>>
        tpu.wait_dma2 semaphore(%run_scoped3A : memref<!tpu.dma_semaphore, #tpu.memory_space<semaphore_mem>>) src(%dma_wait3A_32 : memref<50176xi32, #tpu.memory_space<hbm>>) dst(%dma_wait3A_31 : memref<50176xi32, #tpu.memory_space<vmem>>)
        tpu.yield
      }) : () -> ()
      "tpu.region"() ({
        %run_scoped3A = tpu.sem_alloc : memref<!tpu.dma_semaphore, #tpu.memory_space<semaphore_mem>>
        %dma_start3A_21 = arith.constant 0 : i32
        %dma_start3A_22 = tpu.memref_slice %arg11[%dma_start3A_21] : memref<50176xi32, #tpu.memory_space<vmem>> -> memref<50176xi32, #tpu.memory_space<vmem>>
        %dma_start3A_23 = tpu.memref_slice %arg5[%mul3A_15] : memref<1015808xi32, #tpu.memory_space<hbm>> -> memref<50176xi32, #tpu.memory_space<hbm>>
        %dma_start3A_24 = arith.constant 0 : i32
        %dma_start3A_25 = tpu.memref_slice %arg11[%dma_start3A_24] : memref<50176xi32, #tpu.memory_space<vmem>> -> memref<50176xi32, #tpu.memory_space<vmem>>
        %dma_start3A_26 = tpu.memref_slice %arg5[%mul3A_15] : memref<1015808xi32, #tpu.memory_space<hbm>> -> memref<50176xi32, #tpu.memory_space<hbm>>
        tpu.enqueue_dma source(%dma_start3A_26 : memref<50176xi32, #tpu.memory_space<hbm>>) target(%dma_start3A_25 : memref<50176xi32, #tpu.memory_space<vmem>>) target_semaphore(%run_scoped3A : memref<!tpu.dma_semaphore, #tpu.memory_space<semaphore_mem>>)
        %dma_wait3A_27 = arith.constant 0 : i32
        %dma_wait3A_28 = tpu.memref_slice %arg11[%dma_wait3A_27] : memref<50176xi32, #tpu.memory_space<vmem>> -> memref<50176xi32, #tpu.memory_space<vmem>>
        %dma_wait3A_29 = tpu.memref_slice %arg5[%mul3A_15] : memref<1015808xi32, #tpu.memory_space<hbm>> -> memref<50176xi32, #tpu.memory_space<hbm>>
        %dma_wait3A_30 = arith.constant 0 : i32
        %dma_wait3A_31 = tpu.memref_slice %arg11[%dma_wait3A_30] : memref<50176xi32, #tpu.memory_space<vmem>> -> memref<50176xi32, #tpu.memory_space<vmem>>
        %dma_wait3A_32 = tpu.memref_slice %arg5[%mul3A_15] : memref<1015808xi32, #tpu.memory_space<hbm>> -> memref<50176xi32, #tpu.memory_space<hbm>>
        tpu.wait_dma2 semaphore(%run_scoped3A : memref<!tpu.dma_semaphore, #tpu.memory_space<semaphore_mem>>) src(%dma_wait3A_32 : memref<50176xi32, #tpu.memory_space<hbm>>) dst(%dma_wait3A_31 : memref<50176xi32, #tpu.memory_space<vmem>>)
        tpu.yield
      }) : () -> ()
      %scan3A = arith.constant 0 : i32
      %scan3A_16 = arith.constant 0 : i32
      %scan3A_17 = arith.constant 392 : i32
      %scan3A_18 = arith.addi %scan3A_16, %scan3A_17 : i32
      %scan3A_19 = arith.constant 1 : i32
      scf.for %scan3A_21 = %scan3A_16 to %scan3A_18 step %scan3A_19  : i32 {
        %mul3A_22 = arith.constant 128 : i32
        %mul3A_23 = arith.muli %scan3A_21, %mul3A_22 : i32
        %add3A_24 = arith.constant 0 : i32
        %add3A_25 = arith.addi %mul3A_23, %add3A_24 : i32
        %get3A = arith.index_cast %add3A_25 : i32 to index
        %get3A_26 = tpu.vector_load %arg10[%get3A] {strides = array<i32>} : memref<50176xi32, #tpu.memory_space<vmem>>, vector<16xi32>,
        %get3A_27 = vector.shape_cast %get3A_26 : vector<16xi32> to vector<16xi32>
        %get3A_28 = arith.index_cast %add3A_25 : i32 to index
        %get3A_29 = tpu.vector_load %arg11[%get3A_28] {strides = array<i32>} : memref<50176xi32, #tpu.memory_space<vmem>>, vector<16xi32>,
        %get3A_30 = vector.shape_cast %get3A_29 : vector<16xi32> to vector<16xi32>
        %shift_right_logical3A = arith.constant 7 : i32
        %shift_right_logical3A_31 = vector.broadcast %shift_right_logical3A : i32 to vector<16xi32>
        %shift_right_logical3A_32 = arith.shrui %get3A_30, %shift_right_logical3A_31 : vector<16xi32>
        %shift_left3A = arith.constant 19 : i32
        %shift_left3A_33 = vector.broadcast %shift_left3A : i32 to vector<16xi32>
        %shift_left3A_34 = arith.shli %shift_right_logical3A_32, %shift_left3A_33 : vector<16xi32>
        %shift_left3A_35 = arith.constant 7 : i32
        %shift_left3A_36 = vector.broadcast %shift_left3A_35 : i32 to vector<16xi32>
        %shift_left3A_37 = arith.shli %get3A_27, %shift_left3A_36 : vector<16xi32>
        %add3A_38 = arith.addi %shift_left3A_34, %shift_left3A_37 : vector<16xi32>
        %and3A = arith.constant 127 : i32
        %and3A_39 = vector.broadcast %and3A : i32 to vector<16xi32>
        %and3A_40 = arith.andi %get3A_30, %and3A_39 : vector<16xi32>
        %add3A_41 = arith.addi %add3A_38, %and3A_40 : vector<16xi32>
        %swap3A = arith.index_cast %add3A_25 : i32 to index
        %swap3A_42 = tpu.vector_load %arg10[%swap3A] {strides = array<i32>} : memref<50176xi32, #tpu.memory_space<vmem>>, vector<16xi32>,
        %swap3A_43 = vector.shape_cast %swap3A_42 : vector<16xi32> to vector<16xi32>
        %swap3A_44 = vector.shape_cast %add3A_41 : vector<16xi32> to vector<16xi32>
        tpu.vector_store %arg10[%swap3A], %swap3A_44 {strides = array<i32>} : memref<50176xi32, #tpu.memory_space<vmem>>, vector<16xi32>,
        %mul3A_45 = arith.constant 128 : i32
        %mul3A_46 = arith.muli %scan3A_21, %mul3A_45 : i32
        %add3A_47 = arith.constant 16 : i32
        %add3A_48 = arith.addi %mul3A_46, %add3A_47 : i32
        %get3A_49 = arith.index_cast %add3A_48 : i32 to index
        %get3A_50 = tpu.vector_load %arg10[%get3A_49] {strides = array<i32>} : memref<50176xi32, #tpu.memory_space<vmem>>, vector<16xi32>,
        %get3A_51 = vector.shape_cast %get3A_50 : vector<16xi32> to vector<16xi32>
        %get3A_52 = arith.index_cast %add3A_48 : i32 to index
        %get3A_53 = tpu.vector_load %arg11[%get3A_52] {strides = array<i32>} : memref<50176xi32, #tpu.memory_space<vmem>>, vector<16xi32>,
        %get3A_54 = vector.shape_cast %get3A_53 : vector<16xi32> to vector<16xi32>
        %shift_right_logical3A_55 = arith.constant 7 : i32
        %shift_right_logical3A_56 = vector.broadcast %shift_right_logical3A_55 : i32 to vector<16xi32>
        %shift_right_logical3A_57 = arith.shrui %get3A_54, %shift_right_logical3A_56 : vector<16xi32>
        %shift_left3A_58 = arith.constant 19 : i32
        %shift_left3A_59 = vector.broadcast %shift_left3A_58 : i32 to vector<16xi32>
        %shift_left3A_60 = arith.shli %shift_right_logical3A_57, %shift_left3A_59 : vector<16xi32>
        %shift_left3A_61 = arith.constant 7 : i32
        %shift_left3A_62 = vector.broadcast %shift_left3A_61 : i32 to vector<16xi32>
        %shift_left3A_63 = arith.shli %get3A_51, %shift_left3A_62 : vector<16xi32>
        %add3A_64 = arith.addi %shift_left3A_60, %shift_left3A_63 : vector<16xi32>
        %and3A_65 = arith.constant 127 : i32
        %and3A_66 = vector.broadcast %and3A_65 : i32 to vector<16xi32>
        %and3A_67 = arith.andi %get3A_54, %and3A_66 : vector<16xi32>
        %add3A_68 = arith.addi %add3A_64, %and3A_67 : vector<16xi32>
        %swap3A_69 = arith.index_cast %add3A_48 : i32 to index
        %swap3A_70 = tpu.vector_load %arg10[%swap3A_69] {strides = array<i32>} : memref<50176xi32, #tpu.memory_space<vmem>>, vector<16xi32>,
        %swap3A_71 = vector.shape_cast %swap3A_70 : vector<16xi32> to vector<16xi32>
        %swap3A_72 = vector.shape_cast %add3A_68 : vector<16xi32> to vector<16xi32>
        tpu.vector_store %arg10[%swap3A_69], %swap3A_72 {strides = array<i32>} : memref<50176xi32, #tpu.memory_space<vmem>>, vector<16xi32>,
        %mul3A_73 = arith.constant 128 : i32
        %mul3A_74 = arith.muli %scan3A_21, %mul3A_73 : i32
        %add3A_75 = arith.constant 32 : i32
        %add3A_76 = arith.addi %mul3A_74, %add3A_75 : i32
        %get3A_77 = arith.index_cast %add3A_76 : i32 to index
        %get3A_78 = tpu.vector_load %arg10[%get3A_77] {strides = array<i32>} : memref<50176xi32, #tpu.memory_space<vmem>>, vector<16xi32>,
        %get3A_79 = vector.shape_cast %get3A_78 : vector<16xi32> to vector<16xi32>
        %get3A_80 = arith.index_cast %add3A_76 : i32 to index
        %get3A_81 = tpu.vector_load %arg11[%get3A_80] {strides = array<i32>} : memref<50176xi32, #tpu.memory_space<vmem>>, vector<16xi32>,
        %get3A_82 = vector.shape_cast %get3A_81 : vector<16xi32> to vector<16xi32>
        %shift_right_logical3A_83 = arith.constant 7 : i32
        %shift_right_logical3A_84 = vector.broadcast %shift_right_logical3A_83 : i32 to vector<16xi32>
        %shift_right_logical3A_85 = arith.shrui %get3A_82, %shift_right_logical3A_84 : vector<16xi32>
        %shift_left3A_86 = arith.constant 19 : i32
        %shift_left3A_87 = vector.broadcast %shift_left3A_86 : i32 to vector<16xi32>
        %shift_left3A_88 = arith.shli %shift_right_logical3A_85, %shift_left3A_87 : vector<16xi32>
        %shift_left3A_89 = arith.constant 7 : i32
        %shift_left3A_90 = vector.broadcast %shift_left3A_89 : i32 to vector<16xi32>
        %shift_left3A_91 = arith.shli %get3A_79, %shift_left3A_90 : vector<16xi32>
        %add3A_92 = arith.addi %shift_left3A_88, %shift_left3A_91 : vector<16xi32>
        %and3A_93 = arith.constant 127 : i32
        %and3A_94 = vector.broadcast %and3A_93 : i32 to vector<16xi32>
        %and3A_95 = arith.andi %get3A_82, %and3A_94 : vector<16xi32>
        %add3A_96 = arith.addi %add3A_92, %and3A_95 : vector<16xi32>
        %swap3A_97 = arith.index_cast %add3A_76 : i32 to index
        %swap3A_98 = tpu.vector_load %arg10[%swap3A_97] {strides = array<i32>} : memref<50176xi32, #tpu.memory_space<vmem>>, vector<16xi32>,
        %swap3A_99 = vector.shape_cast %swap3A_98 : vector<16xi32> to vector<16xi32>
        %swap3A_100 = vector.shape_cast %add3A_96 : vector<16xi32> to vector<16xi32>
        tpu.vector_store %arg10[%swap3A_97], %swap3A_100 {strides = array<i32>} : memref<50176xi32, #tpu.memory_space<vmem>>, vector<16xi32>,
        %mul3A_101 = arith.constant 128 : i32
        %mul3A_102 = arith.muli %scan3A_21, %mul3A_101 : i32
        %add3A_103 = arith.constant 48 : i32
        %add3A_104 = arith.addi %mul3A_102, %add3A_103 : i32
        %get3A_105 = arith.index_cast %add3A_104 : i32 to index
        %get3A_106 = tpu.vector_load %arg10[%get3A_105] {strides = array<i32>} : memref<50176xi32, #tpu.memory_space<vmem>>, vector<16xi32>,
        %get3A_107 = vector.shape_cast %get3A_106 : vector<16xi32> to vector<16xi32>
        %get3A_108 = arith.index_cast %add3A_104 : i32 to index
        %get3A_109 = tpu.vector_load %arg11[%get3A_108] {strides = array<i32>} : memref<50176xi32, #tpu.memory_space<vmem>>, vector<16xi32>,
        %get3A_110 = vector.shape_cast %get3A_109 : vector<16xi32> to vector<16xi32>
        %shift_right_logical3A_111 = arith.constant 7 : i32
        %shift_right_logical3A_112 = vector.broadcast %shift_right_logical3A_111 : i32 to vector<16xi32>
        %shift_right_logical3A_113 = arith.shrui %get3A_110, %shift_right_logical3A_112 : vector<16xi32>
        %shift_left3A_114 = arith.constant 19 : i32
        %shift_left3A_115 = vector.broadcast %shift_left3A_114 : i32 to vector<16xi32>
        %shift_left3A_116 = arith.shli %shift_right_logical3A_113, %shift_left3A_115 : vector<16xi32>
        %shift_left3A_117 = arith.constant 7 : i32
        %shift_left3A_118 = vector.broadcast %shift_left3A_117 : i32 to vector<16xi32>
        %shift_left3A_119 = arith.shli %get3A_107, %shift_left3A_118 : vector<16xi32>
        %add3A_120 = arith.addi %shift_left3A_116, %shift_left3A_119 : vector<16xi32>
        %and3A_121 = arith.constant 127 : i32
        %and3A_122 = vector.broadcast %and3A_121 : i32 to vector<16xi32>
        %and3A_123 = arith.andi %get3A_110, %and3A_122 : vector<16xi32>
        %add3A_124 = arith.addi %add3A_120, %and3A_123 : vector<16xi32>
        %swap3A_125 = arith.index_cast %add3A_104 : i32 to index
        %swap3A_126 = tpu.vector_load %arg10[%swap3A_125] {strides = array<i32>} : memref<50176xi32, #tpu.memory_space<vmem>>, vector<16xi32>,
        %swap3A_127 = vector.shape_cast %swap3A_126 : vector<16xi32> to vector<16xi32>
        %swap3A_128 = vector.shape_cast %add3A_124 : vector<16xi32> to vector<16xi32>
        tpu.vector_store %arg10[%swap3A_125], %swap3A_128 {strides = array<i32>} : memref<50176xi32, #tpu.memory_space<vmem>>, vector<16xi32>,
        %mul3A_129 = arith.constant 128 : i32
        %mul3A_130 = arith.muli %scan3A_21, %mul3A_129 : i32
        %add3A_131 = arith.constant 64 : i32
        %add3A_132 = arith.addi %mul3A_130, %add3A_131 : i32
        %get3A_133 = arith.index_cast %add3A_132 : i32 to index
        %get3A_134 = tpu.vector_load %arg10[%get3A_133] {strides = array<i32>} : memref<50176xi32, #tpu.memory_space<vmem>>, vector<16xi32>,
        %get3A_135 = vector.shape_cast %get3A_134 : vector<16xi32> to vector<16xi32>
        %get3A_136 = arith.index_cast %add3A_132 : i32 to index
        %get3A_137 = tpu.vector_load %arg11[%get3A_136] {strides = array<i32>} : memref<50176xi32, #tpu.memory_space<vmem>>, vector<16xi32>,
        %get3A_138 = vector.shape_cast %get3A_137 : vector<16xi32> to vector<16xi32>
        %shift_right_logical3A_139 = arith.constant 7 : i32
        %shift_right_logical3A_140 = vector.broadcast %shift_right_logical3A_139 : i32 to vector<16xi32>
        %shift_right_logical3A_141 = arith.shrui %get3A_138, %shift_right_logical3A_140 : vector<16xi32>
        %shift_left3A_142 = arith.constant 19 : i32
        %shift_left3A_143 = vector.broadcast %shift_left3A_142 : i32 to vector<16xi32>
        %shift_left3A_144 = arith.shli %shift_right_logical3A_141, %shift_left3A_143 : vector<16xi32>
        %shift_left3A_145 = arith.constant 7 : i32
        %shift_left3A_146 = vector.broadcast %shift_left3A_145 : i32 to vector<16xi32>
        %shift_left3A_147 = arith.shli %get3A_135, %shift_left3A_146 : vector<16xi32>
        %add3A_148 = arith.addi %shift_left3A_144, %shift_left3A_147 : vector<16xi32>
        %and3A_149 = arith.constant 127 : i32
        %and3A_150 = vector.broadcast %and3A_149 : i32 to vector<16xi32>
        %and3A_151 = arith.andi %get3A_138, %and3A_150 : vector<16xi32>
        %add3A_152 = arith.addi %add3A_148, %and3A_151 : vector<16xi32>
        %swap3A_153 = arith.index_cast %add3A_132 : i32 to index
        %swap3A_154 = tpu.vector_load %arg10[%swap3A_153] {strides = array<i32>} : memref<50176xi32, #tpu.memory_space<vmem>>, vector<16xi32>,
        %swap3A_155 = vector.shape_cast %swap3A_154 : vector<16xi32> to vector<16xi32>
        %swap3A_156 = vector.shape_cast %add3A_152 : vector<16xi32> to vector<16xi32>
        tpu.vector_store %arg10[%swap3A_153], %swap3A_156 {strides = array<i32>} : memref<50176xi32, #tpu.memory_space<vmem>>, vector<16xi32>,
        %mul3A_157 = arith.constant 128 : i32
        %mul3A_158 = arith.muli %scan3A_21, %mul3A_157 : i32
        %add3A_159 = arith.constant 80 : i32
        %add3A_160 = arith.addi %mul3A_158, %add3A_159 : i32
        %get3A_161 = arith.index_cast %add3A_160 : i32 to index
        %get3A_162 = tpu.vector_load %arg10[%get3A_161] {strides = array<i32>} : memref<50176xi32, #tpu.memory_space<vmem>>, vector<16xi32>,
        %get3A_163 = vector.shape_cast %get3A_162 : vector<16xi32> to vector<16xi32>
        %get3A_164 = arith.index_cast %add3A_160 : i32 to index
        %get3A_165 = tpu.vector_load %arg11[%get3A_164] {strides = array<i32>} : memref<50176xi32, #tpu.memory_space<vmem>>, vector<16xi32>,
        %get3A_166 = vector.shape_cast %get3A_165 : vector<16xi32> to vector<16xi32>
        %shift_right_logical3A_167 = arith.constant 7 : i32
        %shift_right_logical3A_168 = vector.broadcast %shift_right_logical3A_167 : i32 to vector<16xi32>
        %shift_right_logical3A_169 = arith.shrui %get3A_166, %shift_right_logical3A_168 : vector<16xi32>
        %shift_left3A_170 = arith.constant 19 : i32
        %shift_left3A_171 = vector.broadcast %shift_left3A_170 : i32 to vector<16xi32>
        %shift_left3A_172 = arith.shli %shift_right_logical3A_169, %shift_left3A_171 : vector<16xi32>
        %shift_left3A_173 = arith.constant 7 : i32
        %shift_left3A_174 = vector.broadcast %shift_left3A_173 : i32 to vector<16xi32>
        %shift_left3A_175 = arith.shli %get3A_163, %shift_left3A_174 : vector<16xi32>
        %add3A_176 = arith.addi %shift_left3A_172, %shift_left3A_175 : vector<16xi32>
        %and3A_177 = arith.constant 127 : i32
        %and3A_178 = vector.broadcast %and3A_177 : i32 to vector<16xi32>
        %and3A_179 = arith.andi %get3A_166, %and3A_178 : vector<16xi32>
        %add3A_180 = arith.addi %add3A_176, %and3A_179 : vector<16xi32>
        %swap3A_181 = arith.index_cast %add3A_160 : i32 to index
        %swap3A_182 = tpu.vector_load %arg10[%swap3A_181] {strides = array<i32>} : memref<50176xi32, #tpu.memory_space<vmem>>, vector<16xi32>,
        %swap3A_183 = vector.shape_cast %swap3A_182 : vector<16xi32> to vector<16xi32>
        %swap3A_184 = vector.shape_cast %add3A_180 : vector<16xi32> to vector<16xi32>
        tpu.vector_store %arg10[%swap3A_181], %swap3A_184 {strides = array<i32>} : memref<50176xi32, #tpu.memory_space<vmem>>, vector<16xi32>,
        %mul3A_185 = arith.constant 128 : i32
        %mul3A_186 = arith.muli %scan3A_21, %mul3A_185 : i32
        %add3A_187 = arith.constant 96 : i32
        %add3A_188 = arith.addi %mul3A_186, %add3A_187 : i32
        %get3A_189 = arith.index_cast %add3A_188 : i32 to index
        %get3A_190 = tpu.vector_load %arg10[%get3A_189] {strides = array<i32>} : memref<50176xi32, #tpu.memory_space<vmem>>, vector<16xi32>,
        %get3A_191 = vector.shape_cast %get3A_190 : vector<16xi32> to vector<16xi32>
        %get3A_192 = arith.index_cast %add3A_188 : i32 to index
        %get3A_193 = tpu.vector_load %arg11[%get3A_192] {strides = array<i32>} : memref<50176xi32, #tpu.memory_space<vmem>>, vector<16xi32>,
        %get3A_194 = vector.shape_cast %get3A_193 : vector<16xi32> to vector<16xi32>
        %shift_right_logical3A_195 = arith.constant 7 : i32
        %shift_right_logical3A_196 = vector.broadcast %shift_right_logical3A_195 : i32 to vector<16xi32>
        %shift_right_logical3A_197 = arith.shrui %get3A_194, %shift_right_logical3A_196 : vector<16xi32>
        %shift_left3A_198 = arith.constant 19 : i32
        %shift_left3A_199 = vector.broadcast %shift_left3A_198 : i32 to vector<16xi32>
        %shift_left3A_200 = arith.shli %shift_right_logical3A_197, %shift_left3A_199 : vector<16xi32>
        %shift_left3A_201 = arith.constant 7 : i32
        %shift_left3A_202 = vector.broadcast %shift_left3A_201 : i32 to vector<16xi32>
        %shift_left3A_203 = arith.shli %get3A_191, %shift_left3A_202 : vector<16xi32>
        %add3A_204 = arith.addi %shift_left3A_200, %shift_left3A_203 : vector<16xi32>
        %and3A_205 = arith.constant 127 : i32
        %and3A_206 = vector.broadcast %and3A_205 : i32 to vector<16xi32>
        %and3A_207 = arith.andi %get3A_194, %and3A_206 : vector<16xi32>
        %add3A_208 = arith.addi %add3A_204, %and3A_207 : vector<16xi32>
        %swap3A_209 = arith.index_cast %add3A_188 : i32 to index
        %swap3A_210 = tpu.vector_load %arg10[%swap3A_209] {strides = array<i32>} : memref<50176xi32, #tpu.memory_space<vmem>>, vector<16xi32>,
        %swap3A_211 = vector.shape_cast %swap3A_210 : vector<16xi32> to vector<16xi32>
        %swap3A_212 = vector.shape_cast %add3A_208 : vector<16xi32> to vector<16xi32>
        tpu.vector_store %arg10[%swap3A_209], %swap3A_212 {strides = array<i32>} : memref<50176xi32, #tpu.memory_space<vmem>>, vector<16xi32>,
        %mul3A_213 = arith.constant 128 : i32
        %mul3A_214 = arith.muli %scan3A_21, %mul3A_213 : i32
        %add3A_215 = arith.constant 112 : i32
        %add3A_216 = arith.addi %mul3A_214, %add3A_215 : i32
        %get3A_217 = arith.index_cast %add3A_216 : i32 to index
        %get3A_218 = tpu.vector_load %arg10[%get3A_217] {strides = array<i32>} : memref<50176xi32, #tpu.memory_space<vmem>>, vector<16xi32>,
        %get3A_219 = vector.shape_cast %get3A_218 : vector<16xi32> to vector<16xi32>
        %get3A_220 = arith.index_cast %add3A_216 : i32 to index
        %get3A_221 = tpu.vector_load %arg11[%get3A_220] {strides = array<i32>} : memref<50176xi32, #tpu.memory_space<vmem>>, vector<16xi32>,
        %get3A_222 = vector.shape_cast %get3A_221 : vector<16xi32> to vector<16xi32>
        %shift_right_logical3A_223 = arith.constant 7 : i32
        %shift_right_logical3A_224 = vector.broadcast %shift_right_logical3A_223 : i32 to vector<16xi32>
        %shift_right_logical3A_225 = arith.shrui %get3A_222, %shift_right_logical3A_224 : vector<16xi32>
        %shift_left3A_226 = arith.constant 19 : i32
        %shift_left3A_227 = vector.broadcast %shift_left3A_226 : i32 to vector<16xi32>
        %shift_left3A_228 = arith.shli %shift_right_logical3A_225, %shift_left3A_227 : vector<16xi32>
        %shift_left3A_229 = arith.constant 7 : i32
        %shift_left3A_230 = vector.broadcast %shift_left3A_229 : i32 to vector<16xi32>
        %shift_left3A_231 = arith.shli %get3A_219, %shift_left3A_230 : vector<16xi32>
        %add3A_232 = arith.addi %shift_left3A_228, %shift_left3A_231 : vector<16xi32>
        %and3A_233 = arith.constant 127 : i32
        %and3A_234 = vector.broadcast %and3A_233 : i32 to vector<16xi32>
        %and3A_235 = arith.andi %get3A_222, %and3A_234 : vector<16xi32>
        %add3A_236 = arith.addi %add3A_232, %and3A_235 : vector<16xi32>
        %swap3A_237 = arith.index_cast %add3A_216 : i32 to index
        %swap3A_238 = tpu.vector_load %arg10[%swap3A_237] {strides = array<i32>} : memref<50176xi32, #tpu.memory_space<vmem>>, vector<16xi32>,
        %swap3A_239 = vector.shape_cast %swap3A_238 : vector<16xi32> to vector<16xi32>
        %swap3A_240 = vector.shape_cast %add3A_236 : vector<16xi32> to vector<16xi32>
        tpu.vector_store %arg10[%swap3A_237], %swap3A_240 {strides = array<i32>} : memref<50176xi32, #tpu.memory_space<vmem>>, vector<16xi32>,
      }
      %scan3A_20 = arith.constant 392 : i32
      "tpu.region"() ({
        %run_scoped3A = tpu.sem_alloc : memref<!tpu.dma_semaphore, #tpu.memory_space<semaphore_mem>>
        %dma_start3A_21 = arith.constant 0 : i32
        %dma_start3A_22 = tpu.memref_slice %arg10[%dma_start3A_21] : memref<50176xi32, #tpu.memory_space<vmem>> -> memref<50176xi32, #tpu.memory_space<vmem>>
        %dma_start3A_23 = tpu.memref_slice %arg7[%mul3A_15] : memref<1015808xi32, #tpu.memory_space<hbm>> -> memref<50176xi32, #tpu.memory_space<hbm>>
        %dma_start3A_24 = tpu.memref_slice %arg7[%mul3A_15] : memref<1015808xi32, #tpu.memory_space<hbm>> -> memref<50176xi32, #tpu.memory_space<hbm>>
        %dma_start3A_25 = arith.constant 0 : i32
        %dma_start3A_26 = tpu.memref_slice %arg10[%dma_start3A_25] : memref<50176xi32, #tpu.memory_space<vmem>> -> memref<50176xi32, #tpu.memory_space<vmem>>
        tpu.enqueue_dma source(%dma_start3A_26 : memref<50176xi32, #tpu.memory_space<vmem>>) target(%dma_start3A_24 : memref<50176xi32, #tpu.memory_space<hbm>>) target_semaphore(%run_scoped3A : memref<!tpu.dma_semaphore, #tpu.memory_space<semaphore_mem>>)
        %dma_wait3A_27 = arith.constant 0 : i32
        %dma_wait3A_28 = tpu.memref_slice %arg10[%dma_wait3A_27] : memref<50176xi32, #tpu.memory_space<vmem>> -> memref<50176xi32, #tpu.memory_space<vmem>>
        %dma_wait3A_29 = tpu.memref_slice %arg7[%mul3A_15] : memref<1015808xi32, #tpu.memory_space<hbm>> -> memref<50176xi32, #tpu.memory_space<hbm>>
        %dma_wait3A_30 = tpu.memref_slice %arg7[%mul3A_15] : memref<1015808xi32, #tpu.memory_space<hbm>> -> memref<50176xi32, #tpu.memory_space<hbm>>
        %dma_wait3A_31 = arith.constant 0 : i32
        %dma_wait3A_32 = tpu.memref_slice %arg10[%dma_wait3A_31] : memref<50176xi32, #tpu.memory_space<vmem>> -> memref<50176xi32, #tpu.memory_space<vmem>>
        tpu.wait_dma2 semaphore(%run_scoped3A : memref<!tpu.dma_semaphore, #tpu.memory_space<semaphore_mem>>) src(%dma_wait3A_32 : memref<50176xi32, #tpu.memory_space<vmem>>) dst(%dma_wait3A_30 : memref<50176xi32, #tpu.memory_space<hbm>>)
        tpu.yield
      }) : () -> ()
    } else {
    }
    %eq3A_9 = arith.constant 1 : i32
    %eq3A_10 = arith.cmpi eq, %arg0, %eq3A_9 : i32
    %convert_element_type3A_11 = arith.extui %eq3A_10 : i1 to i32
    %cond3A_12 = arith.constant 0 : i32
    %cond3A_13 = arith.cmpi ne, %convert_element_type3A_11, %cond3A_12 : i32
    scf.if %cond3A_13 {
      %mul3A_14 = arith.constant 13312 : i32
      %mul3A_15 = arith.muli %arg1, %mul3A_14 : i32
      %add3A_16 = arith.constant 802816 : i32
      %add3A_17 = arith.addi %add3A_16, %mul3A_15 : i32
      "tpu.region"() ({
        %run_scoped3A = tpu.sem_alloc : memref<!tpu.dma_semaphore, #tpu.memory_space<semaphore_mem>>
        %dma_start3A_23 = arith.constant 0 : i32
        %dma_start3A_24 = tpu.memref_slice %arg10[%dma_start3A_23] : memref<50176xi32, #tpu.memory_space<vmem>> -> memref<13312xi32, #tpu.memory_space<vmem>>
        %dma_start3A_25 = tpu.memref_slice %arg4[%add3A_17] : memref<1015808xi32, #tpu.memory_space<hbm>> -> memref<13312xi32, #tpu.memory_space<hbm>>
        %dma_start3A_26 = arith.constant 0 : i32
        %dma_start3A_27 = tpu.memref_slice %arg10[%dma_start3A_26] : memref<50176xi32, #tpu.memory_space<vmem>> -> memref<13312xi32, #tpu.memory_space<vmem>>
        %dma_start3A_28 = tpu.memref_slice %arg4[%add3A_17] : memref<1015808xi32, #tpu.memory_space<hbm>> -> memref<13312xi32, #tpu.memory_space<hbm>>
        tpu.enqueue_dma source(%dma_start3A_28 : memref<13312xi32, #tpu.memory_space<hbm>>) target(%dma_start3A_27 : memref<13312xi32, #tpu.memory_space<vmem>>) target_semaphore(%run_scoped3A : memref<!tpu.dma_semaphore, #tpu.memory_space<semaphore_mem>>)
        %dma_wait3A_29 = arith.constant 0 : i32
        %dma_wait3A_30 = tpu.memref_slice %arg10[%dma_wait3A_29] : memref<50176xi32, #tpu.memory_space<vmem>> -> memref<13312xi32, #tpu.memory_space<vmem>>
        %dma_wait3A_31 = tpu.memref_slice %arg4[%add3A_17] : memref<1015808xi32, #tpu.memory_space<hbm>> -> memref<13312xi32, #tpu.memory_space<hbm>>
        %dma_wait3A_32 = arith.constant 0 : i32
        %dma_wait3A_33 = tpu.memref_slice %arg10[%dma_wait3A_32] : memref<50176xi32, #tpu.memory_space<vmem>> -> memref<13312xi32, #tpu.memory_space<vmem>>
        %dma_wait3A_34 = tpu.memref_slice %arg4[%add3A_17] : memref<1015808xi32, #tpu.memory_space<hbm>> -> memref<13312xi32, #tpu.memory_space<hbm>>
        tpu.wait_dma2 semaphore(%run_scoped3A : memref<!tpu.dma_semaphore, #tpu.memory_space<semaphore_mem>>) src(%dma_wait3A_34 : memref<13312xi32, #tpu.memory_space<hbm>>) dst(%dma_wait3A_33 : memref<13312xi32, #tpu.memory_space<vmem>>)
        tpu.yield
      }) : () -> ()
      "tpu.region"() ({
        %run_scoped3A = tpu.sem_alloc : memref<!tpu.dma_semaphore, #tpu.memory_space<semaphore_mem>>
        %dma_start3A_23 = arith.constant 0 : i32
        %dma_start3A_24 = tpu.memref_slice %arg11[%dma_start3A_23] : memref<50176xi32, #tpu.memory_space<vmem>> -> memref<13312xi32, #tpu.memory_space<vmem>>
        %dma_start3A_25 = tpu.memref_slice %arg5[%add3A_17] : memref<1015808xi32, #tpu.memory_space<hbm>> -> memref<13312xi32, #tpu.memory_space<hbm>>
        %dma_start3A_26 = arith.constant 0 : i32
        %dma_start3A_27 = tpu.memref_slice %arg11[%dma_start3A_26] : memref<50176xi32, #tpu.memory_space<vmem>> -> memref<13312xi32, #tpu.memory_space<vmem>>
        %dma_start3A_28 = tpu.memref_slice %arg5[%add3A_17] : memref<1015808xi32, #tpu.memory_space<hbm>> -> memref<13312xi32, #tpu.memory_space<hbm>>
        tpu.enqueue_dma source(%dma_start3A_28 : memref<13312xi32, #tpu.memory_space<hbm>>) target(%dma_start3A_27 : memref<13312xi32, #tpu.memory_space<vmem>>) target_semaphore(%run_scoped3A : memref<!tpu.dma_semaphore, #tpu.memory_space<semaphore_mem>>)
        %dma_wait3A_29 = arith.constant 0 : i32
        %dma_wait3A_30 = tpu.memref_slice %arg11[%dma_wait3A_29] : memref<50176xi32, #tpu.memory_space<vmem>> -> memref<13312xi32, #tpu.memory_space<vmem>>
        %dma_wait3A_31 = tpu.memref_slice %arg5[%add3A_17] : memref<1015808xi32, #tpu.memory_space<hbm>> -> memref<13312xi32, #tpu.memory_space<hbm>>
        %dma_wait3A_32 = arith.constant 0 : i32
        %dma_wait3A_33 = tpu.memref_slice %arg11[%dma_wait3A_32] : memref<50176xi32, #tpu.memory_space<vmem>> -> memref<13312xi32, #tpu.memory_space<vmem>>
        %dma_wait3A_34 = tpu.memref_slice %arg5[%add3A_17] : memref<1015808xi32, #tpu.memory_space<hbm>> -> memref<13312xi32, #tpu.memory_space<hbm>>
        tpu.wait_dma2 semaphore(%run_scoped3A : memref<!tpu.dma_semaphore, #tpu.memory_space<semaphore_mem>>) src(%dma_wait3A_34 : memref<13312xi32, #tpu.memory_space<hbm>>) dst(%dma_wait3A_33 : memref<13312xi32, #tpu.memory_space<vmem>>)
        tpu.yield
      }) : () -> ()
      %scan3A = arith.constant 0 : i32
      %scan3A_18 = arith.constant 0 : i32
      %scan3A_19 = arith.constant 104 : i32
      %scan3A_20 = arith.addi %scan3A_18, %scan3A_19 : i32
      %scan3A_21 = arith.constant 1 : i32
      scf.for %scan3A_23 = %scan3A_18 to %scan3A_20 step %scan3A_21  : i32 {
        %mul3A_24 = arith.constant 128 : i32
        %mul3A_25 = arith.muli %scan3A_23, %mul3A_24 : i32
        %add3A_26 = arith.constant 0 : i32
        %add3A_27 = arith.addi %mul3A_25, %add3A_26 : i32
        %get3A = arith.index_cast %add3A_27 : i32 to index
        %get3A_28 = tpu.vector_load %arg10[%get3A] {strides = array<i32>} : memref<50176xi32, #tpu.memory_space<vmem>>, vector<16xi32>,
        %get3A_29 = vector.shape_cast %get3A_28 : vector<16xi32> to vector<16xi32>
        %get3A_30 = arith.index_cast %add3A_27 : i32 to index
        %get3A_31 = tpu.vector_load %arg11[%get3A_30] {strides = array<i32>} : memref<50176xi32, #tpu.memory_space<vmem>>, vector<16xi32>,
        %get3A_32 = vector.shape_cast %get3A_31 : vector<16xi32> to vector<16xi32>
        %shift_right_logical3A = arith.constant 7 : i32
        %shift_right_logical3A_33 = vector.broadcast %shift_right_logical3A : i32 to vector<16xi32>
        %shift_right_logical3A_34 = arith.shrui %get3A_32, %shift_right_logical3A_33 : vector<16xi32>
        %shift_left3A = arith.constant 19 : i32
        %shift_left3A_35 = vector.broadcast %shift_left3A : i32 to vector<16xi32>
        %shift_left3A_36 = arith.shli %shift_right_logical3A_34, %shift_left3A_35 : vector<16xi32>
        %shift_left3A_37 = arith.constant 7 : i32
        %shift_left3A_38 = vector.broadcast %shift_left3A_37 : i32 to vector<16xi32>
        %shift_left3A_39 = arith.shli %get3A_29, %shift_left3A_38 : vector<16xi32>
        %add3A_40 = arith.addi %shift_left3A_36, %shift_left3A_39 : vector<16xi32>
        %and3A = arith.constant 127 : i32
        %and3A_41 = vector.broadcast %and3A : i32 to vector<16xi32>
        %and3A_42 = arith.andi %get3A_32, %and3A_41 : vector<16xi32>
        %add3A_43 = arith.addi %add3A_40, %and3A_42 : vector<16xi32>
        %swap3A = arith.index_cast %add3A_27 : i32 to index
        %swap3A_44 = tpu.vector_load %arg10[%swap3A] {strides = array<i32>} : memref<50176xi32, #tpu.memory_space<vmem>>, vector<16xi32>,
        %swap3A_45 = vector.shape_cast %swap3A_44 : vector<16xi32> to vector<16xi32>
        %swap3A_46 = vector.shape_cast %add3A_43 : vector<16xi32> to vector<16xi32>
        tpu.vector_store %arg10[%swap3A], %swap3A_46 {strides = array<i32>} : memref<50176xi32, #tpu.memory_space<vmem>>, vector<16xi32>,
        %mul3A_47 = arith.constant 128 : i32
        %mul3A_48 = arith.muli %scan3A_23, %mul3A_47 : i32
        %add3A_49 = arith.constant 16 : i32
        %add3A_50 = arith.addi %mul3A_48, %add3A_49 : i32
        %get3A_51 = arith.index_cast %add3A_50 : i32 to index
        %get3A_52 = tpu.vector_load %arg10[%get3A_51] {strides = array<i32>} : memref<50176xi32, #tpu.memory_space<vmem>>, vector<16xi32>,
        %get3A_53 = vector.shape_cast %get3A_52 : vector<16xi32> to vector<16xi32>
        %get3A_54 = arith.index_cast %add3A_50 : i32 to index
        %get3A_55 = tpu.vector_load %arg11[%get3A_54] {strides = array<i32>} : memref<50176xi32, #tpu.memory_space<vmem>>, vector<16xi32>,
        %get3A_56 = vector.shape_cast %get3A_55 : vector<16xi32> to vector<16xi32>
        %shift_right_logical3A_57 = arith.constant 7 : i32
        %shift_right_logical3A_58 = vector.broadcast %shift_right_logical3A_57 : i32 to vector<16xi32>
        %shift_right_logical3A_59 = arith.shrui %get3A_56, %shift_right_logical3A_58 : vector<16xi32>
        %shift_left3A_60 = arith.constant 19 : i32
        %shift_left3A_61 = vector.broadcast %shift_left3A_60 : i32 to vector<16xi32>
        %shift_left3A_62 = arith.shli %shift_right_logical3A_59, %shift_left3A_61 : vector<16xi32>
        %shift_left3A_63 = arith.constant 7 : i32
        %shift_left3A_64 = vector.broadcast %shift_left3A_63 : i32 to vector<16xi32>
        %shift_left3A_65 = arith.shli %get3A_53, %shift_left3A_64 : vector<16xi32>
        %add3A_66 = arith.addi %shift_left3A_62, %shift_left3A_65 : vector<16xi32>
        %and3A_67 = arith.constant 127 : i32
        %and3A_68 = vector.broadcast %and3A_67 : i32 to vector<16xi32>
        %and3A_69 = arith.andi %get3A_56, %and3A_68 : vector<16xi32>
        %add3A_70 = arith.addi %add3A_66, %and3A_69 : vector<16xi32>
        %swap3A_71 = arith.index_cast %add3A_50 : i32 to index
        %swap3A_72 = tpu.vector_load %arg10[%swap3A_71] {strides = array<i32>} : memref<50176xi32, #tpu.memory_space<vmem>>, vector<16xi32>,
        %swap3A_73 = vector.shape_cast %swap3A_72 : vector<16xi32> to vector<16xi32>
        %swap3A_74 = vector.shape_cast %add3A_70 : vector<16xi32> to vector<16xi32>
        tpu.vector_store %arg10[%swap3A_71], %swap3A_74 {strides = array<i32>} : memref<50176xi32, #tpu.memory_space<vmem>>, vector<16xi32>,
        %mul3A_75 = arith.constant 128 : i32
        %mul3A_76 = arith.muli %scan3A_23, %mul3A_75 : i32
        %add3A_77 = arith.constant 32 : i32
        %add3A_78 = arith.addi %mul3A_76, %add3A_77 : i32
        %get3A_79 = arith.index_cast %add3A_78 : i32 to index
        %get3A_80 = tpu.vector_load %arg10[%get3A_79] {strides = array<i32>} : memref<50176xi32, #tpu.memory_space<vmem>>, vector<16xi32>,
        %get3A_81 = vector.shape_cast %get3A_80 : vector<16xi32> to vector<16xi32>
        %get3A_82 = arith.index_cast %add3A_78 : i32 to index
        %get3A_83 = tpu.vector_load %arg11[%get3A_82] {strides = array<i32>} : memref<50176xi32, #tpu.memory_space<vmem>>, vector<16xi32>,
        %get3A_84 = vector.shape_cast %get3A_83 : vector<16xi32> to vector<16xi32>
        %shift_right_logical3A_85 = arith.constant 7 : i32
        %shift_right_logical3A_86 = vector.broadcast %shift_right_logical3A_85 : i32 to vector<16xi32>
        %shift_right_logical3A_87 = arith.shrui %get3A_84, %shift_right_logical3A_86 : vector<16xi32>
        %shift_left3A_88 = arith.constant 19 : i32
        %shift_left3A_89 = vector.broadcast %shift_left3A_88 : i32 to vector<16xi32>
        %shift_left3A_90 = arith.shli %shift_right_logical3A_87, %shift_left3A_89 : vector<16xi32>
        %shift_left3A_91 = arith.constant 7 : i32
        %shift_left3A_92 = vector.broadcast %shift_left3A_91 : i32 to vector<16xi32>
        %shift_left3A_93 = arith.shli %get3A_81, %shift_left3A_92 : vector<16xi32>
        %add3A_94 = arith.addi %shift_left3A_90, %shift_left3A_93 : vector<16xi32>
        %and3A_95 = arith.constant 127 : i32
        %and3A_96 = vector.broadcast %and3A_95 : i32 to vector<16xi32>
        %and3A_97 = arith.andi %get3A_84, %and3A_96 : vector<16xi32>
        %add3A_98 = arith.addi %add3A_94, %and3A_97 : vector<16xi32>
        %swap3A_99 = arith.index_cast %add3A_78 : i32 to index
        %swap3A_100 = tpu.vector_load %arg10[%swap3A_99] {strides = array<i32>} : memref<50176xi32, #tpu.memory_space<vmem>>, vector<16xi32>,
        %swap3A_101 = vector.shape_cast %swap3A_100 : vector<16xi32> to vector<16xi32>
        %swap3A_102 = vector.shape_cast %add3A_98 : vector<16xi32> to vector<16xi32>
        tpu.vector_store %arg10[%swap3A_99], %swap3A_102 {strides = array<i32>} : memref<50176xi32, #tpu.memory_space<vmem>>, vector<16xi32>,
        %mul3A_103 = arith.constant 128 : i32
        %mul3A_104 = arith.muli %scan3A_23, %mul3A_103 : i32
        %add3A_105 = arith.constant 48 : i32
        %add3A_106 = arith.addi %mul3A_104, %add3A_105 : i32
        %get3A_107 = arith.index_cast %add3A_106 : i32 to index
        %get3A_108 = tpu.vector_load %arg10[%get3A_107] {strides = array<i32>} : memref<50176xi32, #tpu.memory_space<vmem>>, vector<16xi32>,
        %get3A_109 = vector.shape_cast %get3A_108 : vector<16xi32> to vector<16xi32>
        %get3A_110 = arith.index_cast %add3A_106 : i32 to index
        %get3A_111 = tpu.vector_load %arg11[%get3A_110] {strides = array<i32>} : memref<50176xi32, #tpu.memory_space<vmem>>, vector<16xi32>,
        %get3A_112 = vector.shape_cast %get3A_111 : vector<16xi32> to vector<16xi32>
        %shift_right_logical3A_113 = arith.constant 7 : i32
        %shift_right_logical3A_114 = vector.broadcast %shift_right_logical3A_113 : i32 to vector<16xi32>
        %shift_right_logical3A_115 = arith.shrui %get3A_112, %shift_right_logical3A_114 : vector<16xi32>
        %shift_left3A_116 = arith.constant 19 : i32
        %shift_left3A_117 = vector.broadcast %shift_left3A_116 : i32 to vector<16xi32>
        %shift_left3A_118 = arith.shli %shift_right_logical3A_115, %shift_left3A_117 : vector<16xi32>
        %shift_left3A_119 = arith.constant 7 : i32
        %shift_left3A_120 = vector.broadcast %shift_left3A_119 : i32 to vector<16xi32>
        %shift_left3A_121 = arith.shli %get3A_109, %shift_left3A_120 : vector<16xi32>
        %add3A_122 = arith.addi %shift_left3A_118, %shift_left3A_121 : vector<16xi32>
        %and3A_123 = arith.constant 127 : i32
        %and3A_124 = vector.broadcast %and3A_123 : i32 to vector<16xi32>
        %and3A_125 = arith.andi %get3A_112, %and3A_124 : vector<16xi32>
        %add3A_126 = arith.addi %add3A_122, %and3A_125 : vector<16xi32>
        %swap3A_127 = arith.index_cast %add3A_106 : i32 to index
        %swap3A_128 = tpu.vector_load %arg10[%swap3A_127] {strides = array<i32>} : memref<50176xi32, #tpu.memory_space<vmem>>, vector<16xi32>,
        %swap3A_129 = vector.shape_cast %swap3A_128 : vector<16xi32> to vector<16xi32>
        %swap3A_130 = vector.shape_cast %add3A_126 : vector<16xi32> to vector<16xi32>
        tpu.vector_store %arg10[%swap3A_127], %swap3A_130 {strides = array<i32>} : memref<50176xi32, #tpu.memory_space<vmem>>, vector<16xi32>,
        %mul3A_131 = arith.constant 128 : i32
        %mul3A_132 = arith.muli %scan3A_23, %mul3A_131 : i32
        %add3A_133 = arith.constant 64 : i32
        %add3A_134 = arith.addi %mul3A_132, %add3A_133 : i32
        %get3A_135 = arith.index_cast %add3A_134 : i32 to index
        %get3A_136 = tpu.vector_load %arg10[%get3A_135] {strides = array<i32>} : memref<50176xi32, #tpu.memory_space<vmem>>, vector<16xi32>,
        %get3A_137 = vector.shape_cast %get3A_136 : vector<16xi32> to vector<16xi32>
        %get3A_138 = arith.index_cast %add3A_134 : i32 to index
        %get3A_139 = tpu.vector_load %arg11[%get3A_138] {strides = array<i32>} : memref<50176xi32, #tpu.memory_space<vmem>>, vector<16xi32>,
        %get3A_140 = vector.shape_cast %get3A_139 : vector<16xi32> to vector<16xi32>
        %shift_right_logical3A_141 = arith.constant 7 : i32
        %shift_right_logical3A_142 = vector.broadcast %shift_right_logical3A_141 : i32 to vector<16xi32>
        %shift_right_logical3A_143 = arith.shrui %get3A_140, %shift_right_logical3A_142 : vector<16xi32>
        %shift_left3A_144 = arith.constant 19 : i32
        %shift_left3A_145 = vector.broadcast %shift_left3A_144 : i32 to vector<16xi32>
        %shift_left3A_146 = arith.shli %shift_right_logical3A_143, %shift_left3A_145 : vector<16xi32>
        %shift_left3A_147 = arith.constant 7 : i32
        %shift_left3A_148 = vector.broadcast %shift_left3A_147 : i32 to vector<16xi32>
        %shift_left3A_149 = arith.shli %get3A_137, %shift_left3A_148 : vector<16xi32>
        %add3A_150 = arith.addi %shift_left3A_146, %shift_left3A_149 : vector<16xi32>
        %and3A_151 = arith.constant 127 : i32
        %and3A_152 = vector.broadcast %and3A_151 : i32 to vector<16xi32>
        %and3A_153 = arith.andi %get3A_140, %and3A_152 : vector<16xi32>
        %add3A_154 = arith.addi %add3A_150, %and3A_153 : vector<16xi32>
        %swap3A_155 = arith.index_cast %add3A_134 : i32 to index
        %swap3A_156 = tpu.vector_load %arg10[%swap3A_155] {strides = array<i32>} : memref<50176xi32, #tpu.memory_space<vmem>>, vector<16xi32>,
        %swap3A_157 = vector.shape_cast %swap3A_156 : vector<16xi32> to vector<16xi32>
        %swap3A_158 = vector.shape_cast %add3A_154 : vector<16xi32> to vector<16xi32>
        tpu.vector_store %arg10[%swap3A_155], %swap3A_158 {strides = array<i32>} : memref<50176xi32, #tpu.memory_space<vmem>>, vector<16xi32>,
        %mul3A_159 = arith.constant 128 : i32
        %mul3A_160 = arith.muli %scan3A_23, %mul3A_159 : i32
        %add3A_161 = arith.constant 80 : i32
        %add3A_162 = arith.addi %mul3A_160, %add3A_161 : i32
        %get3A_163 = arith.index_cast %add3A_162 : i32 to index
        %get3A_164 = tpu.vector_load %arg10[%get3A_163] {strides = array<i32>} : memref<50176xi32, #tpu.memory_space<vmem>>, vector<16xi32>,
        %get3A_165 = vector.shape_cast %get3A_164 : vector<16xi32> to vector<16xi32>
        %get3A_166 = arith.index_cast %add3A_162 : i32 to index
        %get3A_167 = tpu.vector_load %arg11[%get3A_166] {strides = array<i32>} : memref<50176xi32, #tpu.memory_space<vmem>>, vector<16xi32>,
        %get3A_168 = vector.shape_cast %get3A_167 : vector<16xi32> to vector<16xi32>
        %shift_right_logical3A_169 = arith.constant 7 : i32
        %shift_right_logical3A_170 = vector.broadcast %shift_right_logical3A_169 : i32 to vector<16xi32>
        %shift_right_logical3A_171 = arith.shrui %get3A_168, %shift_right_logical3A_170 : vector<16xi32>
        %shift_left3A_172 = arith.constant 19 : i32
        %shift_left3A_173 = vector.broadcast %shift_left3A_172 : i32 to vector<16xi32>
        %shift_left3A_174 = arith.shli %shift_right_logical3A_171, %shift_left3A_173 : vector<16xi32>
        %shift_left3A_175 = arith.constant 7 : i32
        %shift_left3A_176 = vector.broadcast %shift_left3A_175 : i32 to vector<16xi32>
        %shift_left3A_177 = arith.shli %get3A_165, %shift_left3A_176 : vector<16xi32>
        %add3A_178 = arith.addi %shift_left3A_174, %shift_left3A_177 : vector<16xi32>
        %and3A_179 = arith.constant 127 : i32
        %and3A_180 = vector.broadcast %and3A_179 : i32 to vector<16xi32>
        %and3A_181 = arith.andi %get3A_168, %and3A_180 : vector<16xi32>
        %add3A_182 = arith.addi %add3A_178, %and3A_181 : vector<16xi32>
        %swap3A_183 = arith.index_cast %add3A_162 : i32 to index
        %swap3A_184 = tpu.vector_load %arg10[%swap3A_183] {strides = array<i32>} : memref<50176xi32, #tpu.memory_space<vmem>>, vector<16xi32>,
        %swap3A_185 = vector.shape_cast %swap3A_184 : vector<16xi32> to vector<16xi32>
        %swap3A_186 = vector.shape_cast %add3A_182 : vector<16xi32> to vector<16xi32>
        tpu.vector_store %arg10[%swap3A_183], %swap3A_186 {strides = array<i32>} : memref<50176xi32, #tpu.memory_space<vmem>>, vector<16xi32>,
        %mul3A_187 = arith.constant 128 : i32
        %mul3A_188 = arith.muli %scan3A_23, %mul3A_187 : i32
        %add3A_189 = arith.constant 96 : i32
        %add3A_190 = arith.addi %mul3A_188, %add3A_189 : i32
        %get3A_191 = arith.index_cast %add3A_190 : i32 to index
        %get3A_192 = tpu.vector_load %arg10[%get3A_191] {strides = array<i32>} : memref<50176xi32, #tpu.memory_space<vmem>>, vector<16xi32>,
        %get3A_193 = vector.shape_cast %get3A_192 : vector<16xi32> to vector<16xi32>
        %get3A_194 = arith.index_cast %add3A_190 : i32 to index
        %get3A_195 = tpu.vector_load %arg11[%get3A_194] {strides = array<i32>} : memref<50176xi32, #tpu.memory_space<vmem>>, vector<16xi32>,
        %get3A_196 = vector.shape_cast %get3A_195 : vector<16xi32> to vector<16xi32>
        %shift_right_logical3A_197 = arith.constant 7 : i32
        %shift_right_logical3A_198 = vector.broadcast %shift_right_logical3A_197 : i32 to vector<16xi32>
        %shift_right_logical3A_199 = arith.shrui %get3A_196, %shift_right_logical3A_198 : vector<16xi32>
        %shift_left3A_200 = arith.constant 19 : i32
        %shift_left3A_201 = vector.broadcast %shift_left3A_200 : i32 to vector<16xi32>
        %shift_left3A_202 = arith.shli %shift_right_logical3A_199, %shift_left3A_201 : vector<16xi32>
        %shift_left3A_203 = arith.constant 7 : i32
        %shift_left3A_204 = vector.broadcast %shift_left3A_203 : i32 to vector<16xi32>
        %shift_left3A_205 = arith.shli %get3A_193, %shift_left3A_204 : vector<16xi32>
        %add3A_206 = arith.addi %shift_left3A_202, %shift_left3A_205 : vector<16xi32>
        %and3A_207 = arith.constant 127 : i32
        %and3A_208 = vector.broadcast %and3A_207 : i32 to vector<16xi32>
        %and3A_209 = arith.andi %get3A_196, %and3A_208 : vector<16xi32>
        %add3A_210 = arith.addi %add3A_206, %and3A_209 : vector<16xi32>
        %swap3A_211 = arith.index_cast %add3A_190 : i32 to index
        %swap3A_212 = tpu.vector_load %arg10[%swap3A_211] {strides = array<i32>} : memref<50176xi32, #tpu.memory_space<vmem>>, vector<16xi32>,
        %swap3A_213 = vector.shape_cast %swap3A_212 : vector<16xi32> to vector<16xi32>
        %swap3A_214 = vector.shape_cast %add3A_210 : vector<16xi32> to vector<16xi32>
        tpu.vector_store %arg10[%swap3A_211], %swap3A_214 {strides = array<i32>} : memref<50176xi32, #tpu.memory_space<vmem>>, vector<16xi32>,
        %mul3A_215 = arith.constant 128 : i32
        %mul3A_216 = arith.muli %scan3A_23, %mul3A_215 : i32
        %add3A_217 = arith.constant 112 : i32
        %add3A_218 = arith.addi %mul3A_216, %add3A_217 : i32
        %get3A_219 = arith.index_cast %add3A_218 : i32 to index
        %get3A_220 = tpu.vector_load %arg10[%get3A_219] {strides = array<i32>} : memref<50176xi32, #tpu.memory_space<vmem>>, vector<16xi32>,
        %get3A_221 = vector.shape_cast %get3A_220 : vector<16xi32> to vector<16xi32>
        %get3A_222 = arith.index_cast %add3A_218 : i32 to index
        %get3A_223 = tpu.vector_load %arg11[%get3A_222] {strides = array<i32>} : memref<50176xi32, #tpu.memory_space<vmem>>, vector<16xi32>,
        %get3A_224 = vector.shape_cast %get3A_223 : vector<16xi32> to vector<16xi32>
        %shift_right_logical3A_225 = arith.constant 7 : i32
        %shift_right_logical3A_226 = vector.broadcast %shift_right_logical3A_225 : i32 to vector<16xi32>
        %shift_right_logical3A_227 = arith.shrui %get3A_224, %shift_right_logical3A_226 : vector<16xi32>
        %shift_left3A_228 = arith.constant 19 : i32
        %shift_left3A_229 = vector.broadcast %shift_left3A_228 : i32 to vector<16xi32>
        %shift_left3A_230 = arith.shli %shift_right_logical3A_227, %shift_left3A_229 : vector<16xi32>
        %shift_left3A_231 = arith.constant 7 : i32
        %shift_left3A_232 = vector.broadcast %shift_left3A_231 : i32 to vector<16xi32>
        %shift_left3A_233 = arith.shli %get3A_221, %shift_left3A_232 : vector<16xi32>
        %add3A_234 = arith.addi %shift_left3A_230, %shift_left3A_233 : vector<16xi32>
        %and3A_235 = arith.constant 127 : i32
        %and3A_236 = vector.broadcast %and3A_235 : i32 to vector<16xi32>
        %and3A_237 = arith.andi %get3A_224, %and3A_236 : vector<16xi32>
        %add3A_238 = arith.addi %add3A_234, %and3A_237 : vector<16xi32>
        %swap3A_239 = arith.index_cast %add3A_218 : i32 to index
        %swap3A_240 = tpu.vector_load %arg10[%swap3A_239] {strides = array<i32>} : memref<50176xi32, #tpu.memory_space<vmem>>, vector<16xi32>,
        %swap3A_241 = vector.shape_cast %swap3A_240 : vector<16xi32> to vector<16xi32>
        %swap3A_242 = vector.shape_cast %add3A_238 : vector<16xi32> to vector<16xi32>
        tpu.vector_store %arg10[%swap3A_239], %swap3A_242 {strides = array<i32>} : memref<50176xi32, #tpu.memory_space<vmem>>, vector<16xi32>,
      }
      %scan3A_22 = arith.constant 104 : i32
      "tpu.region"() ({
        %run_scoped3A = tpu.sem_alloc : memref<!tpu.dma_semaphore, #tpu.memory_space<semaphore_mem>>
        %dma_start3A_23 = arith.constant 0 : i32
        %dma_start3A_24 = tpu.memref_slice %arg10[%dma_start3A_23] : memref<50176xi32, #tpu.memory_space<vmem>> -> memref<13312xi32, #tpu.memory_space<vmem>>
        %dma_start3A_25 = tpu.memref_slice %arg7[%add3A_17] : memref<1015808xi32, #tpu.memory_space<hbm>> -> memref<13312xi32, #tpu.memory_space<hbm>>
        %dma_start3A_26 = tpu.memref_slice %arg7[%add3A_17] : memref<1015808xi32, #tpu.memory_space<hbm>> -> memref<13312xi32, #tpu.memory_space<hbm>>
        %dma_start3A_27 = arith.constant 0 : i32
        %dma_start3A_28 = tpu.memref_slice %arg10[%dma_start3A_27] : memref<50176xi32, #tpu.memory_space<vmem>> -> memref<13312xi32, #tpu.memory_space<vmem>>
        tpu.enqueue_dma source(%dma_start3A_28 : memref<13312xi32, #tpu.memory_space<vmem>>) target(%dma_start3A_26 : memref<13312xi32, #tpu.memory_space<hbm>>) target_semaphore(%run_scoped3A : memref<!tpu.dma_semaphore, #tpu.memory_space<semaphore_mem>>)
        %dma_wait3A_29 = arith.constant 0 : i32
        %dma_wait3A_30 = tpu.memref_slice %arg10[%dma_wait3A_29] : memref<50176xi32, #tpu.memory_space<vmem>> -> memref<13312xi32, #tpu.memory_space<vmem>>
        %dma_wait3A_31 = tpu.memref_slice %arg7[%add3A_17] : memref<1015808xi32, #tpu.memory_space<hbm>> -> memref<13312xi32, #tpu.memory_space<hbm>>
        %dma_wait3A_32 = tpu.memref_slice %arg7[%add3A_17] : memref<1015808xi32, #tpu.memory_space<hbm>> -> memref<13312xi32, #tpu.memory_space<hbm>>
        %dma_wait3A_33 = arith.constant 0 : i32
        %dma_wait3A_34 = tpu.memref_slice %arg10[%dma_wait3A_33] : memref<50176xi32, #tpu.memory_space<vmem>> -> memref<13312xi32, #tpu.memory_space<vmem>>
        tpu.wait_dma2 semaphore(%run_scoped3A : memref<!tpu.dma_semaphore, #tpu.memory_space<semaphore_mem>>) src(%dma_wait3A_34 : memref<13312xi32, #tpu.memory_space<vmem>>) dst(%dma_wait3A_32 : memref<13312xi32, #tpu.memory_space<hbm>>)
        tpu.yield
      }) : () -> ()
    } else {
    }
    return
  }
}

module attributes {stable_mosaic.version = 14 : i64} {
  func.func @_dnorm_body(%arg0: i32, %arg1: i32, %arg2: memref<512x512xf32, #tpu.memory_space<vmem>>, %arg3: memref<1x512xf32, #tpu.memory_space<vmem>>, %arg4: memref<512x512xbf16, #tpu.memory_space<vmem>>, %arg5: memref<1x512xf32, #tpu.memory_space<vmem>>) attributes {dimension_semantics = [#tpu.dimension_semantics<arbitrary>, #tpu.dimension_semantics<arbitrary>], iteration_bounds = array<i64: 8, 8>, scalar_prefetch = 0 : i64, scratch_operands = 1 : i64, tpu.core_type = #tpu.core_type<tc>, window_params = [{transform_indices = @transform_0, window_bounds = array<i64: 512, 512>}, {transform_indices = @transform_1, window_bounds = array<i64: 1, 512>}, {transform_indices = @transform_2, window_bounds = array<i64: 512, 512>}]} {
    %eq3A = arith.constant 0 : i32
    %eq3A_0 = arith.cmpi eq, %arg1, %eq3A : i32
    %convert_element_type3A = arith.extui %eq3A_0 : i1 to i32
    %cond3A = arith.constant 0 : i32
    %cond3A_1 = arith.cmpi ne, %convert_element_type3A, %cond3A : i32
    scf.if %cond3A_1 {
      %broadcast_in_dim3A_21 = arith.constant 0.000000e+00 : f32
      %broadcast_in_dim3A_22 = vector.broadcast %broadcast_in_dim3A_21 : f32 to vector<1x512xf32>
      %swap3A_23 = arith.constant 0 : index
      %swap3A_24 = arith.constant 0 : index
      %swap3A_25 = vector.load %arg5[%swap3A_23, %swap3A_24] : memref<1x512xf32, #tpu.memory_space<vmem>>, vector<1x512xf32>
      tpu.vector_store %arg5[%swap3A_23, %swap3A_24], %broadcast_in_dim3A_22 {strides = array<i32>} : memref<1x512xf32, #tpu.memory_space<vmem>>, vector<1x512xf32>,
    } else {
    }
    %get3A = arith.constant 0 : index
    %get3A_2 = arith.constant 0 : index
    %get3A_3 = vector.load %arg2[%get3A, %get3A_2] : memref<512x512xf32, #tpu.memory_space<vmem>>, vector<512x512xf32>
    %max3A = arith.constant 0.000000e+00 : f32
    %max3A_4 = vector.broadcast %max3A : f32 to vector<512x512xf32>
    %max3A_5 = arith.maximumf %get3A_3, %max3A_4 : vector<512x512xf32>
    %convert_element_type3A_6 = arith.truncf %max3A_5 : vector<512x512xf32> to vector<512x512xbf16>
    %swap3A = arith.constant 0 : index
    %swap3A_7 = arith.constant 0 : index
    %swap3A_8 = vector.load %arg4[%swap3A, %swap3A_7] : memref<512x512xbf16, #tpu.memory_space<vmem>>, vector<512x512xbf16>
    tpu.vector_store %arg4[%swap3A, %swap3A_7], %convert_element_type3A_6 {strides = array<i32>} : memref<512x512xbf16, #tpu.memory_space<vmem>>, vector<512x512xbf16>,
    %get3A_9 = arith.constant 0 : index
    %get3A_10 = arith.constant 0 : index
    %get3A_11 = vector.load %arg5[%get3A_9, %get3A_10] : memref<1x512xf32, #tpu.memory_space<vmem>>, vector<1x512xf32>
    %reduce_sum3A = arith.constant dense<0.000000e+00> : vector<512xf32>
    %reduce_sum3A_12 = vector.multi_reduction <add>, %max3A_5, %reduce_sum3A [0] : vector<512x512xf32> to vector<512xf32>
    %broadcast_in_dim3A = vector.shape_cast %reduce_sum3A_12 : vector<512xf32> to vector<1x512xf32>
    %add3A = arith.addf %get3A_11, %broadcast_in_dim3A : vector<1x512xf32>
    %swap3A_13 = arith.constant 0 : index
    %swap3A_14 = arith.constant 0 : index
    %swap3A_15 = vector.load %arg5[%swap3A_13, %swap3A_14] : memref<1x512xf32, #tpu.memory_space<vmem>>, vector<1x512xf32>
    tpu.vector_store %arg5[%swap3A_13, %swap3A_14], %add3A {strides = array<i32>} : memref<1x512xf32, #tpu.memory_space<vmem>>, vector<1x512xf32>,
    %eq3A_16 = arith.constant 7 : i32
    %eq3A_17 = arith.cmpi eq, %arg1, %eq3A_16 : i32
    %convert_element_type3A_18 = arith.extui %eq3A_17 : i1 to i32
    %cond3A_19 = arith.constant 0 : i32
    %cond3A_20 = arith.cmpi ne, %convert_element_type3A_18, %cond3A_19 : i32
    scf.if %cond3A_20 {
      %get3A_21 = arith.constant 0 : index
      %get3A_22 = arith.constant 0 : index
      %get3A_23 = vector.load %arg5[%get3A_21, %get3A_22] : memref<1x512xf32, #tpu.memory_space<vmem>>, vector<1x512xf32>
      %gt3A = arith.constant 0.000000e+00 : f32
      %gt3A_24 = vector.broadcast %gt3A : f32 to vector<1x512xf32>
      %gt3A_25 = arith.cmpf ogt, %get3A_23, %gt3A_24 : vector<1x512xf32>
      %rsqrt3A = math.rsqrt %get3A_23 : vector<1x512xf32>
      %jit3A = arith.constant 0.000000e+00 : f32
      %broadcast_in_dim3A_26 = vector.broadcast %jit3A : f32 to vector<1x512xf32>
      %select_n3A = arith.select %gt3A_25, %rsqrt3A, %broadcast_in_dim3A_26 : vector<1x512xi1>, vector<1x512xf32>
      %swap3A_27 = arith.constant 0 : index
      %swap3A_28 = arith.constant 0 : index
      %swap3A_29 = vector.load %arg3[%swap3A_27, %swap3A_28] : memref<1x512xf32, #tpu.memory_space<vmem>>, vector<1x512xf32>
      tpu.vector_store %arg3[%swap3A_27, %swap3A_28], %select_n3A {strides = array<i32>} : memref<1x512xf32, #tpu.memory_space<vmem>>, vector<1x512xf32>,
    } else {
    }
    return
  }
  func.func @transform_0(%arg0: i32, %arg1: i32) -> (i32, i32) {
    %c0_i32 = arith.constant 0 : i32
    return %arg1, %arg0 : i32, i32
  }
  func.func @transform_1(%arg0: i32, %arg1: i32) -> (i32, i32) {
    %c0_i32 = arith.constant 0 : i32
    %c0_i32_0 = arith.constant 0 : i32
    return %c0_i32, %arg0 : i32, i32
  }
  func.func @transform_2(%arg0: i32, %arg1: i32) -> (i32, i32) {
    %c0_i32 = arith.constant 0 : i32
    return %arg1, %arg0 : i32, i32
  }
}

module attributes {stable_mosaic.version = 14 : i64} {
  func.func @_layer_body(%arg0: i32, %arg1: i32, %arg2: memref<512x512xbf16, #tpu.memory_space<vmem>>, %arg3: memref<4096x128xf32, #tpu.memory_space<vmem>>, %arg4: memref<4096x1xf32, #tpu.memory_space<vmem>>, %arg5: memref<512x1xf32, #tpu.memory_space<vmem>>, %arg6: memref<128x128xf32, #tpu.memory_space<vmem>>, %arg7: memref<1x128xf32, #tpu.memory_space<vmem>>, %arg8: memref<512x128xf32, #tpu.memory_space<vmem>>, %arg9: memref<512x128xf32, #tpu.memory_space<vmem>>, %arg10: memref<4096x128xbf16, #tpu.memory_space<vmem>>) attributes {dimension_semantics = [#tpu.dimension_semantics<arbitrary>, #tpu.dimension_semantics<arbitrary>], iteration_bounds = array<i64: 8, 8>, scalar_prefetch = 0 : i64, scratch_operands = 2 : i64, tpu.core_type = #tpu.core_type<tc>, window_params = [{transform_indices = @transform_0, window_bounds = array<i64: 512, 512>}, {pipeline_mode = #tpu.pipeline_mode<synchronous>, transform_indices = @transform_1, window_bounds = array<i64: 4096, 128>}, {pipeline_mode = #tpu.pipeline_mode<synchronous>, transform_indices = @transform_2, window_bounds = array<i64: 4096, 1>}, {transform_indices = @transform_3, window_bounds = array<i64: 512, 1>}, {pipeline_mode = #tpu.pipeline_mode<synchronous>, transform_indices = @transform_4, window_bounds = array<i64: 128, 128>}, {pipeline_mode = #tpu.pipeline_mode<synchronous>, transform_indices = @transform_5, window_bounds = array<i64: 1, 128>}, {transform_indices = @transform_6, window_bounds = array<i64: 512, 128>}]} {
    %eq3A = arith.constant 0 : i32
    %eq3A_0 = arith.cmpi eq, %arg0, %eq3A : i32
    %convert_element_type3A = arith.extui %eq3A_0 : i1 to i32
    %cond3A = arith.constant 0 : i32
    %cond3A_1 = arith.cmpi ne, %convert_element_type3A, %cond3A : i32
    scf.if %cond3A_1 {
      %mul3A_24 = arith.constant 512 : i32
      %mul3A_25 = arith.muli %arg1, %mul3A_24 : i32
      %get3A_26 = arith.index_cast %mul3A_25 : i32 to index
      %get3A_27 = arith.constant 0 : index
      %get3A_28 = vector.load %arg3[%get3A_26, %get3A_27] : memref<4096x128xf32, #tpu.memory_space<vmem>>, vector<512x128xf32>
      %get3A_29 = arith.constant 0 : index
      %get3A_30 = arith.constant 0 : index
      %get3A_31 = vector.load %arg6[%get3A_29, %get3A_30] : memref<128x128xf32, #tpu.memory_space<vmem>>, vector<128x128xf32>
      %dot_general3A_32 = arith.constant dense<0.000000e+00> : vector<512x128xf32>
      %dot_general3A_33 = tpu.matmul %get3A_28, %get3A_31, %dot_general3A_32 {dimension_numbers = #tpu.dot_dimension_numbers<[1], [0], [0], [1], [0, 0, 1, 1], [], []>, transpose_lhs_hint = false} : vector<512x128xf32>, vector<128x128xf32>, vector<512x128xf32> -> vector<512x128xf32>
      %mul3A_34 = arith.constant 512 : i32
      %mul3A_35 = arith.muli %arg1, %mul3A_34 : i32
      %get3A_36 = arith.index_cast %mul3A_35 : i32 to index
      %get3A_37 = arith.constant 0 : index
      %get3A_38 = vector.load %arg4[%get3A_36, %get3A_37] : memref<4096x1xf32, #tpu.memory_space<vmem>>, vector<512x1xf32>
      %mul3A_39 = vector.broadcast %get3A_38 : vector<512x1xf32> to vector<512x128xf32>
      %mul3A_40 = arith.mulf %mul3A_39, %dot_general3A_33 : vector<512x128xf32>
      %convert_element_type3A_41 = arith.truncf %mul3A_40 : vector<512x128xf32> to vector<512x128xbf16>
      %mul3A_42 = arith.constant 512 : i32
      %mul3A_43 = arith.muli %arg1, %mul3A_42 : i32
      %swap3A_44 = arith.index_cast %mul3A_43 : i32 to index
      %swap3A_45 = arith.constant 0 : index
      %swap3A_46 = vector.load %arg10[%swap3A_44, %swap3A_45] : memref<4096x128xbf16, #tpu.memory_space<vmem>>, vector<512x128xbf16>
      tpu.vector_store %arg10[%swap3A_44, %swap3A_45], %convert_element_type3A_41 {strides = array<i32>} : memref<4096x128xbf16, #tpu.memory_space<vmem>>, vector<512x128xbf16>,
    } else {
    }
    %eq3A_2 = arith.constant 0 : i32
    %eq3A_3 = arith.cmpi eq, %arg1, %eq3A_2 : i32
    %convert_element_type3A_4 = arith.extui %eq3A_3 : i1 to i32
    %cond3A_5 = arith.constant 0 : i32
    %cond3A_6 = arith.cmpi ne, %convert_element_type3A_4, %cond3A_5 : i32
    scf.if %cond3A_6 {
      %broadcast_in_dim3A = arith.constant 0.000000e+00 : f32
      %broadcast_in_dim3A_24 = vector.broadcast %broadcast_in_dim3A : f32 to vector<512x128xf32>
      %swap3A_25 = arith.constant 0 : index
      %swap3A_26 = arith.constant 0 : index
      %swap3A_27 = vector.load %arg9[%swap3A_25, %swap3A_26] : memref<512x128xf32, #tpu.memory_space<vmem>>, vector<512x128xf32>
      tpu.vector_store %arg9[%swap3A_25, %swap3A_26], %broadcast_in_dim3A_24 {strides = array<i32>} : memref<512x128xf32, #tpu.memory_space<vmem>>, vector<512x128xf32>,
    } else {
    }
    %get3A = arith.constant 0 : index
    %get3A_7 = arith.constant 0 : index
    %get3A_8 = vector.load %arg9[%get3A, %get3A_7] : memref<512x128xf32, #tpu.memory_space<vmem>>, vector<512x128xf32>
    %get3A_9 = arith.constant 0 : index
    %get3A_10 = arith.constant 0 : index
    %get3A_11 = vector.load %arg2[%get3A_9, %get3A_10] : memref<512x512xbf16, #tpu.memory_space<vmem>>, vector<512x512xbf16>
    %mul3A = arith.constant 512 : i32
    %mul3A_12 = arith.muli %arg1, %mul3A : i32
    %get3A_13 = arith.index_cast %mul3A_12 : i32 to index
    %get3A_14 = arith.constant 0 : index
    %get3A_15 = vector.load %arg10[%get3A_13, %get3A_14] : memref<4096x128xbf16, #tpu.memory_space<vmem>>, vector<512x128xbf16>
    %dot_general3A = arith.constant dense<0.000000e+00> : vector<512x128xf32>
    %dot_general3A_16 = tpu.matmul %get3A_11, %get3A_15, %dot_general3A {dimension_numbers = #tpu.dot_dimension_numbers<[0], [0], [1], [1], [0, 1, 1, 1], [], []>, transpose_lhs_hint = false} : vector<512x512xbf16>, vector<512x128xbf16>, vector<512x128xf32> -> vector<512x128xf32>
    %add3A = arith.addf %get3A_8, %dot_general3A_16 : vector<512x128xf32>
    %swap3A = arith.constant 0 : index
    %swap3A_17 = arith.constant 0 : index
    %swap3A_18 = vector.load %arg9[%swap3A, %swap3A_17] : memref<512x128xf32, #tpu.memory_space<vmem>>, vector<512x128xf32>
    tpu.vector_store %arg9[%swap3A, %swap3A_17], %add3A {strides = array<i32>} : memref<512x128xf32, #tpu.memory_space<vmem>>, vector<512x128xf32>,
    %eq3A_19 = arith.constant 7 : i32
    %eq3A_20 = arith.cmpi eq, %arg1, %eq3A_19 : i32
    %convert_element_type3A_21 = arith.extui %eq3A_20 : i1 to i32
    %cond3A_22 = arith.constant 0 : i32
    %cond3A_23 = arith.cmpi ne, %convert_element_type3A_21, %cond3A_22 : i32
    scf.if %cond3A_23 {
      %get3A_24 = arith.constant 0 : index
      %get3A_25 = arith.constant 0 : index
      %get3A_26 = vector.load %arg5[%get3A_24, %get3A_25] : memref<512x1xf32, #tpu.memory_space<vmem>>, vector<512x1xf32>
      %get3A_27 = arith.constant 0 : index
      %get3A_28 = arith.constant 0 : index
      %get3A_29 = vector.load %arg9[%get3A_27, %get3A_28] : memref<512x128xf32, #tpu.memory_space<vmem>>, vector<512x128xf32>
      %mul3A_30 = vector.broadcast %get3A_26 : vector<512x1xf32> to vector<512x128xf32>
      %mul3A_31 = arith.mulf %mul3A_30, %get3A_29 : vector<512x128xf32>
      %get3A_32 = arith.constant 0 : index
      %get3A_33 = arith.constant 0 : index
      %get3A_34 = vector.load %arg7[%get3A_32, %get3A_33] : memref<1x128xf32, #tpu.memory_space<vmem>>, vector<1x128xf32>
      %add3A_35 = vector.broadcast %get3A_34 : vector<1x128xf32> to vector<512x128xf32>
      %add3A_36 = arith.addf %mul3A_31, %add3A_35 : vector<512x128xf32>
      %max3A = arith.constant 0.000000e+00 : f32
      %max3A_37 = vector.broadcast %max3A : f32 to vector<512x128xf32>
      %max3A_38 = arith.maximumf %add3A_36, %max3A_37 : vector<512x128xf32>
      %swap3A_39 = arith.constant 0 : index
      %swap3A_40 = arith.constant 0 : index
      %swap3A_41 = vector.load %arg8[%swap3A_39, %swap3A_40] : memref<512x128xf32, #tpu.memory_space<vmem>>, vector<512x128xf32>
      tpu.vector_store %arg8[%swap3A_39, %swap3A_40], %max3A_38 {strides = array<i32>} : memref<512x128xf32, #tpu.memory_space<vmem>>, vector<512x128xf32>,
    } else {
    }
    return
  }
  func.func @transform_0(%arg0: i32, %arg1: i32) -> (i32, i32) {
    %c0_i32 = arith.constant 0 : i32
    return %arg1, %arg0 : i32, i32
  }
  func.func @transform_1(%arg0: i32, %arg1: i32) -> (i32, i32) {
    %c0_i32 = arith.constant 0 : i32
    %c0_i32_0 = arith.constant 0 : i32
    %c0_i32_1 = arith.constant 0 : i32
    return %c0_i32, %c0_i32_0 : i32, i32
  }
  func.func @transform_2(%arg0: i32, %arg1: i32) -> (i32, i32) {
    %c0_i32 = arith.constant 0 : i32
    %c0_i32_0 = arith.constant 0 : i32
    %c0_i32_1 = arith.constant 0 : i32
    return %c0_i32, %c0_i32_0 : i32, i32
  }
  func.func @transform_3(%arg0: i32, %arg1: i32) -> (i32, i32) {
    %c0_i32 = arith.constant 0 : i32
    %c0_i32_0 = arith.constant 0 : i32
    return %arg0, %c0_i32 : i32, i32
  }
  func.func @transform_4(%arg0: i32, %arg1: i32) -> (i32, i32) {
    %c0_i32 = arith.constant 0 : i32
    %c0_i32_0 = arith.constant 0 : i32
    %c0_i32_1 = arith.constant 0 : i32
    return %c0_i32, %c0_i32_0 : i32, i32
  }
  func.func @transform_5(%arg0: i32, %arg1: i32) -> (i32, i32) {
    %c0_i32 = arith.constant 0 : i32
    %c0_i32_0 = arith.constant 0 : i32
    %c0_i32_1 = arith.constant 0 : i32
    return %c0_i32, %c0_i32_0 : i32, i32
  }
  func.func @transform_6(%arg0: i32, %arg1: i32) -> (i32, i32) {
    %c0_i32 = arith.constant 0 : i32
    %c0_i32_0 = arith.constant 0 : i32
    return %arg0, %c0_i32 : i32, i32
  }
}

module attributes {stable_mosaic.version = 14 : i64} {
  func.func @_layer_body(%arg0: i32, %arg1: i32, %arg2: memref<512x512xbf16, #tpu.memory_space<vmem>>, %arg3: memref<4096x128xf32, #tpu.memory_space<vmem>>, %arg4: memref<4096x1xf32, #tpu.memory_space<vmem>>, %arg5: memref<512x1xf32, #tpu.memory_space<vmem>>, %arg6: memref<128x64xf32, #tpu.memory_space<vmem>>, %arg7: memref<1x64xf32, #tpu.memory_space<vmem>>, %arg8: memref<512x64xf32, #tpu.memory_space<vmem>>, %arg9: memref<512x64xf32, #tpu.memory_space<vmem>>, %arg10: memref<4096x64xbf16, #tpu.memory_space<vmem>>) attributes {dimension_semantics = [#tpu.dimension_semantics<arbitrary>, #tpu.dimension_semantics<arbitrary>], iteration_bounds = array<i64: 8, 8>, scalar_prefetch = 0 : i64, scratch_operands = 2 : i64, tpu.core_type = #tpu.core_type<tc>, window_params = [{transform_indices = @transform_0, window_bounds = array<i64: 512, 512>}, {pipeline_mode = #tpu.pipeline_mode<synchronous>, transform_indices = @transform_1, window_bounds = array<i64: 4096, 128>}, {pipeline_mode = #tpu.pipeline_mode<synchronous>, transform_indices = @transform_2, window_bounds = array<i64: 4096, 1>}, {transform_indices = @transform_3, window_bounds = array<i64: 512, 1>}, {pipeline_mode = #tpu.pipeline_mode<synchronous>, transform_indices = @transform_4, window_bounds = array<i64: 128, 64>}, {pipeline_mode = #tpu.pipeline_mode<synchronous>, transform_indices = @transform_5, window_bounds = array<i64: 1, 64>}, {transform_indices = @transform_6, window_bounds = array<i64: 512, 64>}]} {
    %eq3A = arith.constant 0 : i32
    %eq3A_0 = arith.cmpi eq, %arg0, %eq3A : i32
    %convert_element_type3A = arith.extui %eq3A_0 : i1 to i32
    %cond3A = arith.constant 0 : i32
    %cond3A_1 = arith.cmpi ne, %convert_element_type3A, %cond3A : i32
    scf.if %cond3A_1 {
      %mul3A_24 = arith.constant 512 : i32
      %mul3A_25 = arith.muli %arg1, %mul3A_24 : i32
      %get3A_26 = arith.index_cast %mul3A_25 : i32 to index
      %get3A_27 = arith.constant 0 : index
      %get3A_28 = vector.load %arg3[%get3A_26, %get3A_27] : memref<4096x128xf32, #tpu.memory_space<vmem>>, vector<512x128xf32>
      %get3A_29 = arith.constant 0 : index
      %get3A_30 = arith.constant 0 : index
      %get3A_31 = vector.load %arg6[%get3A_29, %get3A_30] : memref<128x64xf32, #tpu.memory_space<vmem>>, vector<128x64xf32>
      %dot_general3A_32 = arith.constant dense<0.000000e+00> : vector<512x64xf32>
      %dot_general3A_33 = tpu.matmul %get3A_28, %get3A_31, %dot_general3A_32 {dimension_numbers = #tpu.dot_dimension_numbers<[1], [0], [0], [1], [0, 0, 1, 1], [], []>, transpose_lhs_hint = false} : vector<512x128xf32>, vector<128x64xf32>, vector<512x64xf32> -> vector<512x64xf32>
      %mul3A_34 = arith.constant 512 : i32
      %mul3A_35 = arith.muli %arg1, %mul3A_34 : i32
      %get3A_36 = arith.index_cast %mul3A_35 : i32 to index
      %get3A_37 = arith.constant 0 : index
      %get3A_38 = vector.load %arg4[%get3A_36, %get3A_37] : memref<4096x1xf32, #tpu.memory_space<vmem>>, vector<512x1xf32>
      %mul3A_39 = vector.broadcast %get3A_38 : vector<512x1xf32> to vector<512x64xf32>
      %mul3A_40 = arith.mulf %mul3A_39, %dot_general3A_33 : vector<512x64xf32>
      %convert_element_type3A_41 = arith.truncf %mul3A_40 : vector<512x64xf32> to vector<512x64xbf16>
      %mul3A_42 = arith.constant 512 : i32
      %mul3A_43 = arith.muli %arg1, %mul3A_42 : i32
      %swap3A_44 = arith.index_cast %mul3A_43 : i32 to index
      %swap3A_45 = arith.constant 0 : index
      %swap3A_46 = vector.load %arg10[%swap3A_44, %swap3A_45] : memref<4096x64xbf16, #tpu.memory_space<vmem>>, vector<512x64xbf16>
      tpu.vector_store %arg10[%swap3A_44, %swap3A_45], %convert_element_type3A_41 {strides = array<i32>} : memref<4096x64xbf16, #tpu.memory_space<vmem>>, vector<512x64xbf16>,
    } else {
    }
    %eq3A_2 = arith.constant 0 : i32
    %eq3A_3 = arith.cmpi eq, %arg1, %eq3A_2 : i32
    %convert_element_type3A_4 = arith.extui %eq3A_3 : i1 to i32
    %cond3A_5 = arith.constant 0 : i32
    %cond3A_6 = arith.cmpi ne, %convert_element_type3A_4, %cond3A_5 : i32
    scf.if %cond3A_6 {
      %broadcast_in_dim3A = arith.constant 0.000000e+00 : f32
      %broadcast_in_dim3A_24 = vector.broadcast %broadcast_in_dim3A : f32 to vector<512x64xf32>
      %swap3A_25 = arith.constant 0 : index
      %swap3A_26 = arith.constant 0 : index
      %swap3A_27 = vector.load %arg9[%swap3A_25, %swap3A_26] : memref<512x64xf32, #tpu.memory_space<vmem>>, vector<512x64xf32>
      tpu.vector_store %arg9[%swap3A_25, %swap3A_26], %broadcast_in_dim3A_24 {strides = array<i32>} : memref<512x64xf32, #tpu.memory_space<vmem>>, vector<512x64xf32>,
    } else {
    }
    %get3A = arith.constant 0 : index
    %get3A_7 = arith.constant 0 : index
    %get3A_8 = vector.load %arg9[%get3A, %get3A_7] : memref<512x64xf32, #tpu.memory_space<vmem>>, vector<512x64xf32>
    %get3A_9 = arith.constant 0 : index
    %get3A_10 = arith.constant 0 : index
    %get3A_11 = vector.load %arg2[%get3A_9, %get3A_10] : memref<512x512xbf16, #tpu.memory_space<vmem>>, vector<512x512xbf16>
    %mul3A = arith.constant 512 : i32
    %mul3A_12 = arith.muli %arg1, %mul3A : i32
    %get3A_13 = arith.index_cast %mul3A_12 : i32 to index
    %get3A_14 = arith.constant 0 : index
    %get3A_15 = vector.load %arg10[%get3A_13, %get3A_14] : memref<4096x64xbf16, #tpu.memory_space<vmem>>, vector<512x64xbf16>
    %dot_general3A = arith.constant dense<0.000000e+00> : vector<512x64xf32>
    %dot_general3A_16 = tpu.matmul %get3A_11, %get3A_15, %dot_general3A {dimension_numbers = #tpu.dot_dimension_numbers<[0], [0], [1], [1], [0, 1, 1, 1], [], []>, transpose_lhs_hint = false} : vector<512x512xbf16>, vector<512x64xbf16>, vector<512x64xf32> -> vector<512x64xf32>
    %add3A = arith.addf %get3A_8, %dot_general3A_16 : vector<512x64xf32>
    %swap3A = arith.constant 0 : index
    %swap3A_17 = arith.constant 0 : index
    %swap3A_18 = vector.load %arg9[%swap3A, %swap3A_17] : memref<512x64xf32, #tpu.memory_space<vmem>>, vector<512x64xf32>
    tpu.vector_store %arg9[%swap3A, %swap3A_17], %add3A {strides = array<i32>} : memref<512x64xf32, #tpu.memory_space<vmem>>, vector<512x64xf32>,
    %eq3A_19 = arith.constant 7 : i32
    %eq3A_20 = arith.cmpi eq, %arg1, %eq3A_19 : i32
    %convert_element_type3A_21 = arith.extui %eq3A_20 : i1 to i32
    %cond3A_22 = arith.constant 0 : i32
    %cond3A_23 = arith.cmpi ne, %convert_element_type3A_21, %cond3A_22 : i32
    scf.if %cond3A_23 {
      %get3A_24 = arith.constant 0 : index
      %get3A_25 = arith.constant 0 : index
      %get3A_26 = vector.load %arg5[%get3A_24, %get3A_25] : memref<512x1xf32, #tpu.memory_space<vmem>>, vector<512x1xf32>
      %get3A_27 = arith.constant 0 : index
      %get3A_28 = arith.constant 0 : index
      %get3A_29 = vector.load %arg9[%get3A_27, %get3A_28] : memref<512x64xf32, #tpu.memory_space<vmem>>, vector<512x64xf32>
      %mul3A_30 = vector.broadcast %get3A_26 : vector<512x1xf32> to vector<512x64xf32>
      %mul3A_31 = arith.mulf %mul3A_30, %get3A_29 : vector<512x64xf32>
      %get3A_32 = arith.constant 0 : index
      %get3A_33 = arith.constant 0 : index
      %get3A_34 = vector.load %arg7[%get3A_32, %get3A_33] : memref<1x64xf32, #tpu.memory_space<vmem>>, vector<1x64xf32>
      %add3A_35 = vector.broadcast %get3A_34 : vector<1x64xf32> to vector<512x64xf32>
      %add3A_36 = arith.addf %mul3A_31, %add3A_35 : vector<512x64xf32>
      %swap3A_37 = arith.constant 0 : index
      %swap3A_38 = arith.constant 0 : index
      %swap3A_39 = vector.load %arg8[%swap3A_37, %swap3A_38] : memref<512x64xf32, #tpu.memory_space<vmem>>, vector<512x64xf32>
      tpu.vector_store %arg8[%swap3A_37, %swap3A_38], %add3A_36 {strides = array<i32>} : memref<512x64xf32, #tpu.memory_space<vmem>>, vector<512x64xf32>,
    } else {
    }
    return
  }
  func.func @transform_0(%arg0: i32, %arg1: i32) -> (i32, i32) {
    %c0_i32 = arith.constant 0 : i32
    return %arg1, %arg0 : i32, i32
  }
  func.func @transform_1(%arg0: i32, %arg1: i32) -> (i32, i32) {
    %c0_i32 = arith.constant 0 : i32
    %c0_i32_0 = arith.constant 0 : i32
    %c0_i32_1 = arith.constant 0 : i32
    return %c0_i32, %c0_i32_0 : i32, i32
  }
  func.func @transform_2(%arg0: i32, %arg1: i32) -> (i32, i32) {
    %c0_i32 = arith.constant 0 : i32
    %c0_i32_0 = arith.constant 0 : i32
    %c0_i32_1 = arith.constant 0 : i32
    return %c0_i32, %c0_i32_0 : i32, i32
  }
  func.func @transform_3(%arg0: i32, %arg1: i32) -> (i32, i32) {
    %c0_i32 = arith.constant 0 : i32
    %c0_i32_0 = arith.constant 0 : i32
    return %arg0, %c0_i32 : i32, i32
  }
  func.func @transform_4(%arg0: i32, %arg1: i32) -> (i32, i32) {
    %c0_i32 = arith.constant 0 : i32
    %c0_i32_0 = arith.constant 0 : i32
    %c0_i32_1 = arith.constant 0 : i32
    return %c0_i32, %c0_i32_0 : i32, i32
  }
  func.func @transform_5(%arg0: i32, %arg1: i32) -> (i32, i32) {
    %c0_i32 = arith.constant 0 : i32
    %c0_i32_0 = arith.constant 0 : i32
    %c0_i32_1 = arith.constant 0 : i32
    return %c0_i32, %c0_i32_0 : i32, i32
  }
  func.func @transform_6(%arg0: i32, %arg1: i32) -> (i32, i32) {
    %c0_i32 = arith.constant 0 : i32
    %c0_i32_0 = arith.constant 0 : i32
    return %arg0, %c0_i32 : i32, i32
  }
}

module attributes {stable_mosaic.version = 14 : i64} {
  func.func @_gram_body(%arg0: i32, %arg1: memref<4096x64xf32, #tpu.memory_space<vmem>>, %arg2: memref<512x64xf32, #tpu.memory_space<vmem>>, %arg3: memref<4x4096x128xf32, #tpu.memory_space<vmem>>) attributes {dimension_semantics = [#tpu.dimension_semantics<arbitrary>], iteration_bounds = array<i64: 8>, scalar_prefetch = 0 : i64, scratch_operands = 0 : i64, tpu.core_type = #tpu.core_type<tc>, window_params = [{pipeline_mode = #tpu.pipeline_mode<synchronous>, transform_indices = @transform_0, window_bounds = array<i64: 4096, 64>}, {transform_indices = @transform_1, window_bounds = array<i64: 512, 64>}, {transform_indices = @transform_2, window_bounds = array<i64: 4, 4096, 128>}]} {
    %get3A = arith.constant 0 : index
    %get3A_0 = arith.constant 0 : index
    %get3A_1 = vector.load %arg1[%get3A, %get3A_0] : memref<4096x64xf32, #tpu.memory_space<vmem>>, vector<4096x64xf32>
    %get3A_2 = arith.constant 0 : index
    %get3A_3 = arith.constant 0 : index
    %get3A_4 = vector.load %arg2[%get3A_2, %get3A_3] : memref<512x64xf32, #tpu.memory_space<vmem>>, vector<512x64xf32>
    %dot_general3A = arith.constant dense<0.000000e+00> : vector<4096x512xf32>
    %dot_general3A_5 = tpu.matmul %get3A_1, %get3A_4, %dot_general3A {dimension_numbers = #tpu.dot_dimension_numbers<[1], [1], [0], [0], [0, 0, 1, 0], [], []>, transpose_lhs_hint = false} : vector<4096x64xf32>, vector<512x64xf32>, vector<4096x512xf32> -> vector<4096x512xf32>
    %slice3A = vector.extract_strided_slice %dot_general3A_5 {offsets = [0, 0], sizes = [4096, 128], strides = [1, 1]} : vector<4096x512xf32> to vector<4096x128xf32>
    %swap3A = arith.constant 0 : index
    %swap3A_6 = arith.constant 0 : index
    %swap3A_7 = arith.constant 0 : index
    %swap3A_8 = vector.load %arg3[%swap3A, %swap3A_6, %swap3A_7] : memref<4x4096x128xf32, #tpu.memory_space<vmem>>, vector<1x4096x128xf32>
    %swap3A_9 = vector.shape_cast %swap3A_8 : vector<1x4096x128xf32> to vector<4096x128xf32>
    %swap3A_10 = vector.shape_cast %slice3A : vector<4096x128xf32> to vector<1x4096x128xf32>
    tpu.vector_store %arg3[%swap3A, %swap3A_6, %swap3A_7], %swap3A_10 {strides = array<i32>} : memref<4x4096x128xf32, #tpu.memory_space<vmem>>, vector<1x4096x128xf32>,
    %slice3A_11 = vector.extract_strided_slice %dot_general3A_5 {offsets = [0, 128], sizes = [4096, 128], strides = [1, 1]} : vector<4096x512xf32> to vector<4096x128xf32>
    %swap3A_12 = arith.constant 1 : index
    %swap3A_13 = arith.constant 0 : index
    %swap3A_14 = arith.constant 0 : index
    %swap3A_15 = vector.load %arg3[%swap3A_12, %swap3A_13, %swap3A_14] : memref<4x4096x128xf32, #tpu.memory_space<vmem>>, vector<1x4096x128xf32>
    %swap3A_16 = vector.shape_cast %swap3A_15 : vector<1x4096x128xf32> to vector<4096x128xf32>
    %swap3A_17 = vector.shape_cast %slice3A_11 : vector<4096x128xf32> to vector<1x4096x128xf32>
    tpu.vector_store %arg3[%swap3A_12, %swap3A_13, %swap3A_14], %swap3A_17 {strides = array<i32>} : memref<4x4096x128xf32, #tpu.memory_space<vmem>>, vector<1x4096x128xf32>,
    %slice3A_18 = vector.extract_strided_slice %dot_general3A_5 {offsets = [0, 256], sizes = [4096, 128], strides = [1, 1]} : vector<4096x512xf32> to vector<4096x128xf32>
    %swap3A_19 = arith.constant 2 : index
    %swap3A_20 = arith.constant 0 : index
    %swap3A_21 = arith.constant 0 : index
    %swap3A_22 = vector.load %arg3[%swap3A_19, %swap3A_20, %swap3A_21] : memref<4x4096x128xf32, #tpu.memory_space<vmem>>, vector<1x4096x128xf32>
    %swap3A_23 = vector.shape_cast %swap3A_22 : vector<1x4096x128xf32> to vector<4096x128xf32>
    %swap3A_24 = vector.shape_cast %slice3A_18 : vector<4096x128xf32> to vector<1x4096x128xf32>
    tpu.vector_store %arg3[%swap3A_19, %swap3A_20, %swap3A_21], %swap3A_24 {strides = array<i32>} : memref<4x4096x128xf32, #tpu.memory_space<vmem>>, vector<1x4096x128xf32>,
    %slice3A_25 = vector.extract_strided_slice %dot_general3A_5 {offsets = [0, 384], sizes = [4096, 128], strides = [1, 1]} : vector<4096x512xf32> to vector<4096x128xf32>
    %swap3A_26 = arith.constant 3 : index
    %swap3A_27 = arith.constant 0 : index
    %swap3A_28 = arith.constant 0 : index
    %swap3A_29 = vector.load %arg3[%swap3A_26, %swap3A_27, %swap3A_28] : memref<4x4096x128xf32, #tpu.memory_space<vmem>>, vector<1x4096x128xf32>
    %swap3A_30 = vector.shape_cast %swap3A_29 : vector<1x4096x128xf32> to vector<4096x128xf32>
    %swap3A_31 = vector.shape_cast %slice3A_25 : vector<4096x128xf32> to vector<1x4096x128xf32>
    tpu.vector_store %arg3[%swap3A_26, %swap3A_27, %swap3A_28], %swap3A_31 {strides = array<i32>} : memref<4x4096x128xf32, #tpu.memory_space<vmem>>, vector<1x4096x128xf32>,
    return
  }
  func.func @transform_0(%arg0: i32) -> (i32, i32) {
    %c0_i32 = arith.constant 0 : i32
    %c0_i32_0 = arith.constant 0 : i32
    %c0_i32_1 = arith.constant 0 : i32
    return %c0_i32, %c0_i32_0 : i32, i32
  }
  func.func @transform_1(%arg0: i32) -> (i32, i32) {
    %c0_i32 = arith.constant 0 : i32
    %c0_i32_0 = arith.constant 0 : i32
    return %arg0, %c0_i32 : i32, i32
  }
  func.func @transform_2(%arg0: i32) -> (i32, i32, i32) {
    %c0_i32 = arith.constant 0 : i32
    %c0_i32_0 = arith.constant 0 : i32
    %c0_i32_1 = arith.constant 0 : i32
    return %arg0, %c0_i32, %c0_i32_0 : i32, i32, i32
  }
}

</mosaic_0001>

<sc_bundles>
// kernel: kernel.11.cloned.1.call-start
scs
__scs_entry_jumppad:
0x0: {  	(pc) =	sbr.rel $0x88, $3  }
0x1: {  	(tag) =	ssettag $0x0;
	lr =	simm.s32 $0x1  }
0x2: {  	[smem:$0x3F99] =	sst lr;
	_ =	strace $0xD0000000  }
0x3: {  	_ = 	snop  }
0x4: {  	_ = 	snop  }
0x5: {  	_ = 	snop  }
0x6: {  	_ = 	snop  }
0x7: {  	_ = 	snop  }
__scs_overlays_trampoline_lowered:
0x8: {  	[smem:$0x3FA8] =	sst s0  }
0x9: {  	[smem:$0x3FA9] =	sst s1  }
0xa: {  	[smem:$0x3FAA] =	sst s2  }
0xb: {  	[smem:$0x3FAB] =	sst s3  }
0xc: {  	[smem:$0x3FAC] =	sst s4  }
0xd: {  	[smem:$0x3FAD] =	sst s5  }
0xe: {  	[smem:$0x3FAE] =	sst s6  }
0xf: {  	[smem:$0x3FAF] =	sst s7  }
0x10: {  	[smem:$0x3FB0] =	sst s8  }
0x11: {  	[smem:$0x3FB1] =	sst s9;
	s0 =	simm.s32 @!p0 $0x0  }
0x12: {  	s1 =	sld [smem:$0x3F97];
	s0 =	simm.s32 @p0 $0x1  }
0x13: {  	[smem:$0x3FB2] =	sst s0;
	s0 =	simm.s32 @!p1 $0x0  }
0x14: {  	s2 =	sld [smem:$0x3F96];
	s0 =	simm.s32 @p1 $0x1  }
0x15: {  	[smem:$0x3FB3] =	sst s0;
	s0 =	simm.s32 @!p2 $0x0  }
0x16: {  	s3 =	sld [smem:$0x3FDB];
	s0 =	simm.s32 @p2 $0x1  }
0x17: {  	s4 =	simm.s32 $0x1BF5;
	[smem:$0x3FB5] =	sst s0  }
0x18: {  	s0 =	sld [smem:$0x3F98];
	_ =	swait.ge [sflag:s4], $0x0  }
0x19: {  	s7 =	sld [smem:$0x3F99]  }
0x1a: {  	s8 =	sadd.s32 $0xFFFFE003, lr  }
0x1b: {  	s9 =	sadd.s32 $0xFFFFFEF7, lr;
	s5 =	simm.s32 $0xFFFFFFFF;
	p2 =	slt.u32 s8, $0xFFFFF086  }
0x1c: {  	p1 =	slt.u32 s9, $0xF7A;
	s5 =	simm.s32 @!p2 $0x0  }
0x1d: {  	s5 =	simm.s32 @p1 $0x1;
	p0 =	seq.s32 s7, s2  }
0x1e: {  	s7 =	smul.u32 @!p0 $0xF7A, s2;
	p2 =	seq.s32 @!p0 s5, $0x0  }
0x1f: {  	s9 =	smul.u32 $0xF7A, s1;
	s8 =	simm.s32 @!p0 $0x1BF5;
	p2 =	por !p2, p0  }
0x20: {  	[sflag:s8] =	ssyncset.s32 @!p0 $0xFFFFF086;
	s6 =	sadd.s32 @!p0 s3, s7;
	s7 =	simm.s32 @!p0 $0x108  }
0x21: {  	s3 =	sadd.s32 s3, s9;
	s6 =	sadd.s32 @!p0 $0x88, s6;
	s7 =	simm.s32 @p2 $0x1082  }
0x22: {  	[simem:s7], [sflag:s8] =	dma.local @!p0 [hbm:s6], $0xF7A  }
0x23: {  	s9 =	sor.u32 $0xD0000000, s2;
	s6 =	simm.s32 $0x108;
	_ =	swait.ge @!p0 [sflag:s8], $0x0  }
0x24: {  	s3 =	sadd.s32 $0x88, s3;
	s6 =	simm.s32 @!p1 $0x1082;
	[sflag:s4] =	ssyncset.s32 $0xFFFFF086  }
0x25: {  	[simem:s6], [sflag:s4] =	dma.local [hbm:s3], $0xF7A  }
0x26: {  	[smem:$0x3F99] =	sst s1;
	(tag) =	ssettag s2;
	_ =	strace s9  }
0x27: {  	s1 =	sld [smem:$0x3FA9]  }
0x28: {  	s2 =	sld [smem:$0x3FAA]  }
0x29: {  	s4 =	sld [smem:$0x3FAC]  }
0x2a: {  	p0 =	seq.s32 s5, $0x0;
	s5 =	sld [smem:$0x3FAD]  }
0x2b: {  	s6 =	sld [smem:$0x3FAE]  }
0x2c: {  	s7 =	sld [smem:$0x3FAF]  }
0x2d: {  	s3 =	simm.s32 $0x108;
	s8 =	sld [smem:$0x3FB0]  }
0x2e: {  	s3 =	simm.s32 @!p0 $0x1082;
	s9 =	sld [smem:$0x3FB1]  }
0x2f: {  	lr =	sadd.s32 s0, s3;
	s0 =	sld [smem:$0x3FA8]  }
0x30: {  	s3 =	sld [smem:$0x3FAB]  }
0x31: {  	[smem:$0x3FB4] =	sst s10  }
0x32: {  	s10 =	sld [smem:$0x3FB2];
	_ =	sdelay $0x3  }
0x33: {  	p0 =	seq.s32 s10, $0x1;
	s10 =	sld [smem:$0x3FB4];
	_ =	sdelay $0x3  }
0x34: {  	[smem:$0x3FB4] =	sst s10  }
0x35: {  	s10 =	sld [smem:$0x3FB3];
	_ =	sdelay $0x3  }
0x36: {  	p1 =	seq.s32 s10, $0x1;
	s10 =	sld [smem:$0x3FB4];
	_ =	sdelay $0x3  }
0x37: {  	[smem:$0x3FB4] =	sst s10  }
0x38: {  	s10 =	sld [smem:$0x3FB5]  }
0x39: {  	_ = 	snop;
	(pc) =	sbr.ind lr, $3  }
0x3a: {  	_ = 	snop  }
0x3b: {  	_ = 	snop  }
0x3c: {  	p2 =	seq.s32 s10, $0x1;
	s10 =	sld [smem:$0x3FB4]  }
0x3d: {  	_ =	shalt  }
0x3e: {  	_ =	shalt  }
0x3f: {  	_ =	shalt  }
0x40: {  	_ =	shalt  }
0x41: {  	_ =	shalt  }
0x42: {  	_ =	shalt  }
0x43: {  	_ =	shalt  }
0x44: {  	_ =	shalt  }
0x45: {  	_ =	shalt  }
0x46: {  	_ =	shalt  }
0x47: {  	_ =	shalt  }
0x48: {  	_ =	shalt  }
0x49: {  	_ =	shalt  }
0x4a: {  	_ =	shalt  }
0x4b: {  	_ =	shalt  }
0x4c: {  	_ =	shalt  }
0x4d: {  	_ =	shalt  }
0x4e: {  	_ =	shalt  }
0x4f: {  	_ =	shalt  }
0x50: {  	_ =	shalt  }
0x51: {  	_ =	shalt  }
0x52: {  	_ =	shalt  }
0x53: {  	_ =	shalt  }
0x54: {  	_ =	shalt  }
0x55: {  	_ =	shalt  }
0x56: {  	_ =	shalt  }
0x57: {  	_ =	shalt  }
0x58: {  	_ =	shalt  }
0x59: {  	_ =	shalt  }
0x5a: {  	_ =	shalt  }
0x5b: {  	_ =	shalt  }
0x5c: {  	_ =	shalt  }
0x5d: {  	_ =	shalt  }
0x5e: {  	_ =	shalt  }
0x5f: {  	_ =	shalt  }
0x60: {  	_ =	shalt  }
0x61: {  	_ =	shalt  }
0x62: {  	_ =	shalt  }
0x63: {  	_ =	shalt  }
0x64: {  	_ =	shalt  }
0x65: {  	_ =	shalt  }
0x66: {  	_ =	shalt  }
0x67: {  	_ =	shalt  }
0x68: {  	_ =	shalt  }
0x69: {  	_ =	shalt  }
0x6a: {  	_ =	shalt  }
0x6b: {  	_ =	shalt  }
0x6c: {  	_ =	shalt  }
0x6d: {  	_ =	shalt  }
0x6e: {  	_ =	shalt  }
0x6f: {  	_ =	shalt  }
0x70: {  	_ =	shalt  }
0x71: {  	_ =	shalt  }
0x72: {  	_ =	shalt  }
0x73: {  	_ =	shalt  }
0x74: {  	_ =	shalt  }
0x75: {  	_ =	shalt  }
0x76: {  	_ =	shalt  }
0x77: {  	_ =	shalt  }
0x78: {  	_ =	shalt  }
0x79: {  	_ =	shalt  }
0x7a: {  	_ =	shalt  }
0x7b: {  	_ =	shalt  }
0x7c: {  	_ =	shalt  }
0x7d: {  	_ =	shalt  }
0x7e: {  	_ =	shalt  }
0x7f: {  	_ =	shalt  }
0x80: {  	_ =	shalt  }
0x81: {  	_ =	shalt  }
0x82: {  	_ =	shalt  }
0x83: {  	_ =	shalt  }
0x84: {  	_ =	shalt  }
0x85: {  	_ =	shalt  }
0x86: {  	_ =	shalt  }
0x87: {  	_ =	shalt  }
.Lfunc_end0:
.L_simem_size_0:
called_computation.1_lowered:
.L_overlay_start_0:
0x88: {  	s2 =	sld [smem:$0x3FD9]  }
0x89: {  	s3 =	sld [smem:$0x3FFE];
	_ =	sdelay $0x1  }
0x8a: {  	s1 =	srdreg.scid  }
0x8b: {  	s0 =	sand.u32 $0x1, s1  }
0x8c: {  	s16 =	sshll.u32 s0, $0xA;
	s2 =	sadd.s32 s3, s2  }
0x8d: {  	s2 =	sadd.s32 s2, s16  }
0x8e: {  	[smem:$0x3FC0] =	sst s2  }
0x8f: {  	_ = 	snop  }
0x90: {  	(tm) =	ssettm $0x1  }
0x91: {  	s17 =	sld [smem:$0x3FFB];
	_ =	sdelay $0x3  }
0x92: {  	_ =	strace s17  }
0x93: {  	s2 =	sld [smem:$0x3FFC];
	_ =	sdelay $0x3  }
0x94: {  	_ =	strace s2  }
0x95: {  	s2 =	sld [smem:$0x3FFD];
	_ =	sdelay $0x3  }
0x96: {  	_ =	strace s2  }
0x97: {  	_ =	strace $0x8FFFFFFF  }
0x98: {  	s18 =	sld [smem:$0x3FDB];
	_ =	sdelay $0x1  }
0x99: {  	s19 =	simm.s32 $_scs_section_size  }
0x9a: {  	s4 =	simm.s32 $_size__tile_overlayer_lowered;
	s5 =	simm.s32 $_tile_overlayer_lowered  }
0x9b: {  	s22 =	simm.s32 $0x1BFF;
	s21 =	sshll.u32 s5, $0x1;
	s2 =	sadd.s32 s19, s18  }
0x9c: {  	s6 =	simm.s32 $0x0;
	s20 =	sshll.u32 s4, $0x1;
	s4 =	sadd.s32 s21, s2  }
0x9d: {  	[timem:s6], [sflag:s22] =	dma.local [hbm:s4], s20  }
0x9e: {  	_ =	swait.ge [sflag:s22], s20  }
0x9f: {  	s3 =	ssub.s32 $0x0, s20;
	[sflag:s22] =	ssyncset.done $0x0  }
0xa0: {  	[sflag:s22] =	ssyncadd.s32 s3;
	_ =	sdelay $0x1  }
0xa1: {  	s23 =	simm.s32 $0x1B8B  }
0xa2: {  	_ =	swait.ge [sflag:s23], $0x1  }
0xa3: {  	[sflag:s23] =	ssyncset.done $0x0  }
0xa4: {  	s25 =	simm.s32 $0x1B8E;
	s24 =	sld [smem:$0x3FFE];
	[sflag:s23] =	ssyncadd.s32 $0xFFFFFFFF  }
0xa5: {  	s26 =	simm.s32 $execute0_lowered;
	[smem:$0x3FD2] =	sst s25  }
0xa6: {  	s4 =	sshll.u32 s26, $0x1;
	_ =	strace $0x80000049;
	[dreg:$0x1] =	wrdreg $0xFFFFFFFF  }
0xa7: {  	s28 =	simm.s32 $_size_execute0_lowered;
	s2 =	sadd.s32 s2, s4;
	[dreg:$0x0] =	wrdreg $0x0  }
0xa8: {  	s4 =	sshll.u32 s28, $0x1;
	[dreg:$0x2] =	wrdreg s2  }
0xa9: {  	[dreg:$0x3] =	wrdreg s4  }
0xaa: {  	[dreg:$0x4] =	wrdreg $0xC0  }
0xab: {  	_ =	task [dreg:s6], $0x5FFFF  }
0xac: {  	[dreg:$0x1] =	wrdreg $0xFFFFFFFF  }
0xad: {  	[dreg:$0x0] =	wrdreg $0x60  }
0xae: {  	[dreg:$0x2] =	wrdreg s24  }
0xaf: {  	[dreg:$0x3] =	wrdreg $0x9  }
0xb0: {  	_ =	task.clear_ibuf [dreg:s6], $0x4FFFF;
	_ =	strace $0x90000049  }
0xb1: {  	s29 =	simm.s32 $0x9;
	_ =	strace $0x8000004B  }
0xb2: {  	_ =	swait.ge [sflag:s29], $0x1  }
0xb3: {  	[sflag:s29] =	ssyncadd.s32 $0xFFFFFFFF  }
0xb4: {  	_ =	strace $0x9000004B  }
0xb5: {  	_ =	sfence  }
0xb6: {  	s30 =	sld [smem:$0x0];
	_ =	sdelay $0x2  }
0xb7: {  	s31 =	sshll.u32 s1, $0xD;
	s1 =	sshrl.u32 s1, $0x2  }
0xb8: {  	s3 =	sand.u32 $0x4000, s31;
	s1 =	sadd.s32 s1, s30  }
0xb9: {  	s0 =	sor.u32 s3, s0;
	s1 =	sshll.u32 s1, $0x11  }
0xba: {  	s0 =	sor.u32 s1, s0  }
0xbb: {  	s0 =	sadd.s32 $0x8F2B, s0  }
0xbc: {  	[sflag:s0] =	ssyncadd.remote.s32 $0x1  }
0xbd: {  	_ =	sfence.sel $0xFFFF  }
0xbe: {  	[dreg:$0x0] =	wrdreg $0xFFFFFFFF;
	(pc) =	sbr.abs _section_cstart, $3  }
0xbf: {  	[dreg:$0x1] =	wrdreg $0xFFFFFFFF  }
0xc0: {  	_ =	task.clear_ibuf [dreg:s6], $0x2FFFF;
	_ =	strace $0x9FFFFFFF  }
0xc1: {  	(tm) =	ssettm $0x7FFFFFFF  }
tec
execute0_lowered:
.L_overlay_start_1:
0x0: {  	(tag) =	ssettag $0x1  }
0x1: {  	s4 =	rddreg [dreg:$0x0]  }
0x2: {  	s0 =	rddreg [dreg:$0x1];
	s2 =	simm.s32 $0x0  }
0x3: {  	s3 =	srdreg.scid;
	s1 =	stileid.u32;
	s12 =	simm.s32 $0xC400  }
0x4: {  	s13 =	simm.s32 $0x0;
	[smem:$0x7FF] =	sst s2;
	s5 =	sand.u32 $0x1, s3  }
0x5: {  	s3 =	sadd.s32 $0x5EA00, s4;
	s7 =	smul.u32 $0x3400, s1;
	s8 =	sadd.s32 $0x3FA00, s4  }
0x6: {  	s10 =	smul.u32 $0x1880, s1;
	s11 =	sadd.s32 $0x1A00, s4;
	_ =	strace $0x8000004A  }
.Ltmp0:
0x7: {  	s6 =	ssub.s32 $0x2, s5;
	p0 =	seq.s32 s5, $0x1;
	(pc) =	sbr.rel .LBB2_1-.Ltmp0, $4  }
0x8: {  	s9 =	sshrl.u32 s6, $0x1;
	s31 =	sshrl.u32 s7, $0x3;
	s4 =	sadd.s32 s8, s10  }
0x9: {  	s5 =	sadd.s32 s11, s10;
	s10 =	simm.s32 $0x80;
	s7 =	sadd.s32 $0x18800, s31  }
0xa: {  	s9 =	ssub.s32 s6, s9;
	s6 =	sadd.s32 s8, s7;
	s7 =	sadd.s32 s11, s7  }
0xb: {  	s8 =	smax.u32 s9, $0x1;
	s9 =	simm.s32 $0x2;
	s11 =	simm.s32 $0x1  }
.LBB2_7:
0xc: {  	s14 =	sadd.s32 $0xC400, s16;
	[sflag:s11] =	ssyncadd.s32 $0xFFFFFF80  }
0xd: {  	[tilespmem:s14], [sflag:$0x1] =	stream.indirect.gather [hbm4b:s3+s10], $0x1, s16, s10, $0xb8;
	[tilespmem:$0x18800] =	vst v63  }
0xe: {  	s18 =	sadd.s32 $0xC480, s16;
	s15 =	sadd.s32 $0x80, s16  }
0xf: {  	[tilespmem:s18], [sflag:$0x1] =	stream.indirect.gather [hbm4b:s3+s10], $0x1, s15, s10, $0xb8;
	[tilespmem:$0x18800] =	vst v63  }
0x10: {  	s19 =	sadd.s32 $0xC500, s16;
	s20 =	sadd.s32 $0x100, s16  }
0x11: {  	[tilespmem:s19], [sflag:$0x1] =	stream.indirect.gather [hbm4b:s3+s10], $0x1, s20, s10, $0xb8;
	[tilespmem:$0x18800] =	vst v63  }
0x12: {  	s21 =	sadd.s32 $0xC580, s16;
	s22 =	sadd.s32 $0x180, s16  }
0x13: {  	[tilespmem:s21], [sflag:$0x1] =	stream.indirect.gather [hbm4b:s3+s10], $0x1, s22, s10, $0xb8;
	[tilespmem:$0x18800] =	vst v63  }
0x14: {  	s23 =	sadd.s32 $0xC600, s16;
	s24 =	sadd.s32 $0x200, s16  }
0x15: {  	[tilespmem:s23], [sflag:$0x1] =	stream.indirect.gather [hbm4b:s3+s10], $0x1, s24, s10, $0xb8;
	[tilespmem:$0x18800] =	vst v63  }
0x16: {  	s25 =	sadd.s32 $0xC680, s16;
	s26 =	sadd.s32 $0x280, s16  }
0x17: {  	[tilespmem:s25], [sflag:$0x1] =	stream.indirect.gather [hbm4b:s3+s10], $0x1, s26, s10, $0xb8;
	[tilespmem:$0x18800] =	vst v63  }
0x18: {  	s28 =	sadd.s32 $0xC700, s16;
	s29 =	sadd.s32 $0x300, s16  }
0x19: {  	[tilespmem:s28], [sflag:$0x1] =	stream.indirect.gather [hbm4b:s3+s10], $0x1, s29, s10, $0xb8;
	[tilespmem:$0x18800] =	vst v63  }
0x1a: {  	s30 =	sadd.s32 $0xC780, s16;
	s31 =	sadd.s32 $0x380, s16  }
0x1b: {  	[tilespmem:s30], [sflag:$0x1] =	stream.indirect.gather [hbm4b:s3+s10], $0x1, s31, s10, $0xb8;
	[tilespmem:$0x18800] =	vst v63  }
0x1c: {  	_ =	swait.ge [sflag:s11], $0x80  }
0x1d: {  	[sflag:s11] =	ssyncset.done $0x0  }
0x1e: {  	[sflag:s11] =	ssyncadd.s32 $0xFFFFFF80  }
0x1f: {  	_ =	swait.ge [sflag:s11], $0x80  }
0x20: {  	[sflag:s11] =	ssyncset.done $0x0  }
0x21: {  	[sflag:s11] =	ssyncadd.s32 $0xFFFFFF80  }
0x22: {  	_ =	swait.ge [sflag:s11], $0x80  }
0x23: {  	[sflag:s11] =	ssyncset.done $0x0  }
0x24: {  	[sflag:s11] =	ssyncadd.s32 $0xFFFFFF80  }
0x25: {  	_ =	swait.ge [sflag:s11], $0x80  }
0x26: {  	[sflag:s11] =	ssyncset.done $0x0  }
0x27: {  	[sflag:s11] =	ssyncadd.s32 $0xFFFFFF80  }
0x28: {  	_ =	swait.ge [sflag:s11], $0x80  }
0x29: {  	[sflag:s11] =	ssyncset.done $0x0  }
0x2a: {  	[sflag:s11] =	ssyncadd.s32 $0xFFFFFF80  }
0x2b: {  	_ =	swait.ge [sflag:s11], $0x80  }
0x2c: {  	[sflag:s11] =	ssyncset.done $0x0  }
0x2d: {  	[sflag:s11] =	ssyncadd.s32 $0xFFFFFF80  }
0x2e: {  	_ =	swait.ge [sflag:s11], $0x80  }
0x2f: {  	[sflag:s11] =	ssyncset.done $0x0  }
0x30: {  	[sflag:s11] =	ssyncadd.s32 $0xFFFFFF80  }
0x31: {  	_ =	swait.ge [sflag:s11], $0x80  }
0x32: {  	[sflag:s11] =	ssyncset.done $0x0  }
0x33: {  	[sflag:s11] =	ssyncadd.s32 $0xFFFFFF80  }
0x34: {  	[hbm4b:s7+s2] =	stream.linear.scatter [tilespmem:s12], [sflag:$0x2], $0x3400, $0x38;
	[tilespmem:$0x18800] =	vst v63  }
0x35: {  	_ =	swait.ge [sflag:s9], $0x3400  }
0x36: {  	[sflag:s9] =	ssyncset.done $0x0  }
0x37: {  	[sflag:s9] =	ssyncadd.s32 $0xFFFFCC00  }
.LBB2_8:
0x38: {  	s13 =	sadd.s32 $0x1, s13  }
0x39: {  	p1 =	sne.s32 s13, s8  }
.Ltmp1:
0x3a: {  	_ = 	snop;
	(pc) =	sbr.rel @!p1 .LBB2_9-.Ltmp1, $1  }
0x3b: {  	_ =	sdelay $0x3  }
.LBB2_1:
.Ltmp2:
0x3c: {  	(pc) =	sbr.rel @!p0 .LBB2_2-.Ltmp2, $2  }
0x3d: {  	_ =	sdelay $0x2  }
0x3e: {  	s14 =	simm.s32 $0x0  }
0x3f: {  	[tilespmem:s14], [sflag:$0x2] =	stream.linear.gather [hbm4b:s6+s14], $0x3400, $0x38;
	[tilespmem:$0x18800] =	vst v63  }
0x40: {  	_ =	swait.ge [sflag:s9], $0x3400  }
0x41: {  	[sflag:s9] =	ssyncset.done $0x0  }
0x42: {  	s16 =	simm.s32 $0x0;
	s15 =	simm.s32 $0xC400;
	[sflag:s9] =	ssyncadd.s32 $0xFFFFCC00  }
0x43: {  	[tilespmem:s15], [sflag:$0x1] =	stream.indirect.gather [hbm4b:s3+s10], $0x1, s16, s10, $0xb8;
	[tilespmem:$0x18800] =	vst v63  }
0x44: {  	s17 =	simm.s32 $0xC480;
	s18 =	simm.s32 $0x80  }
0x45: {  	[tilespmem:s17], [sflag:$0x1] =	stream.indirect.gather [hbm4b:s3+s10], $0x1, s18, s10, $0xb8;
	[tilespmem:$0x18800] =	vst v63  }
0x46: {  	s19 =	simm.s32 $0xC500;
	s20 =	simm.s32 $0x100  }
0x47: {  	[tilespmem:s19], [sflag:$0x1] =	stream.indirect.gather [hbm4b:s3+s10], $0x1, s20, s10, $0xb8;
	[tilespmem:$0x18800] =	vst v63  }
0x48: {  	s21 =	simm.s32 $0xC580;
	s22 =	simm.s32 $0x180  }
0x49: {  	[tilespmem:s21], [sflag:$0x1] =	stream.indirect.gather [hbm4b:s3+s10], $0x1, s22, s10, $0xb8;
	[tilespmem:$0x18800] =	vst v63  }
0x4a: {  	s23 =	simm.s32 $0xC600;
	s24 =	simm.s32 $0x200  }
0x4b: {  	[tilespmem:s23], [sflag:$0x1] =	stream.indirect.gather [hbm4b:s3+s10], $0x1, s24, s10, $0xb8;
	[tilespmem:$0x18800] =	vst v63  }
0x4c: {  	s25 =	simm.s32 $0xC680;
	s26 =	simm.s32 $0x280  }
0x4d: {  	[tilespmem:s25], [sflag:$0x1] =	stream.indirect.gather [hbm4b:s3+s10], $0x1, s26, s10, $0xb8;
	[tilespmem:$0x18800] =	vst v63  }
0x4e: {  	s28 =	simm.s32 $0xC700;
	s29 =	simm.s32 $0x300  }
0x4f: {  	[tilespmem:s28], [sflag:$0x1] =	stream.indirect.gather [hbm4b:s3+s10], $0x1, s29, s10, $0xb8;
	[tilespmem:$0x18800] =	vst v63  }
0x50: {  	s30 =	simm.s32 $0xC780;
	s31 =	simm.s32 $0x380  }
0x51: {  	[tilespmem:s30], [sflag:$0x1] =	stream.indirect.gather [hbm4b:s3+s10], $0x1, s31, s10, $0xb8;
	[tilespmem:$0x18800] =	vst v63  }
0x52: {  	_ =	swait.ge [sflag:s11], $0x80  }
0x53: {  	[sflag:s11] =	ssyncset.done $0x0  }
0x54: {  	[sflag:s11] =	ssyncadd.s32 $0xFFFFFF80  }
0x55: {  	_ =	swait.ge [sflag:s11], $0x80  }
0x56: {  	[sflag:s11] =	ssyncset.done $0x0  }
0x57: {  	[sflag:s11] =	ssyncadd.s32 $0xFFFFFF80  }
0x58: {  	_ =	swait.ge [sflag:s11], $0x80  }
0x59: {  	[sflag:s11] =	ssyncset.done $0x0  }
0x5a: {  	[sflag:s11] =	ssyncadd.s32 $0xFFFFFF80  }
0x5b: {  	_ =	swait.ge [sflag:s11], $0x80  }
0x5c: {  	[sflag:s11] =	ssyncset.done $0x0  }
0x5d: {  	[sflag:s11] =	ssyncadd.s32 $0xFFFFFF80  }
0x5e: {  	_ =	swait.ge [sflag:s11], $0x80  }
0x5f: {  	[sflag:s11] =	ssyncset.done $0x0  }
0x60: {  	[sflag:s11] =	ssyncadd.s32 $0xFFFFFF80  }
0x61: {  	_ =	swait.ge [sflag:s11], $0x80  }
0x62: {  	[sflag:s11] =	ssyncset.done $0x0  }
0x63: {  	[sflag:s11] =	ssyncadd.s32 $0xFFFFFF80  }
0x64: {  	_ =	swait.ge [sflag:s11], $0x80  }
0x65: {  	[sflag:s11] =	ssyncset.done $0x0  }
0x66: {  	[sflag:s11] =	ssyncadd.s32 $0xFFFFFF80  }
0x67: {  	_ =	swait.ge [sflag:s11], $0x80  }
0x68: {  	s16 =	simm.s32 $0x400;
	s17 =	simm.s32 $0x2000;
	[sflag:s11] =	ssyncset.done $0x0  }
.LBB2_6:
0x69: {  	s18 =	sadd.s32 $0xC400, s16  }
0x6a: {  	[sflag:s11] =	ssyncadd.s32 $0xFFFFFF80;
	s15 =	smov.u32 s17;
	s14 =	sadd.s32 $0x1000, s17  }
0x6b: {  	[tilespmem:s18], [sflag:$0x1] =	stream.indirect.gather [hbm4b:s3+s10], $0x1, s16, s10, $0xb8;
	[tilespmem:$0x18800] =	vst v63  }
0x6c: {  	p1 =	sne.s32 s17, $0xC000;
	s17 =	sadd.s32 $0xC480, s16;
	s18 =	sadd.s32 $0x80, s16  }
0x6d: {  	[tilespmem:s17], [sflag:$0x1] =	stream.indirect.gather [hbm4b:s3+s10], $0x1, s18, s10, $0xb8;
	[tilespmem:$0x18800] =	vst v63  }
0x6e: {  	s17 =	sadd.s32 $0xC500, s16;
	s18 =	sadd.s32 $0x100, s16  }
0x6f: {  	[tilespmem:s17], [sflag:$0x1] =	stream.indirect.gather [hbm4b:s3+s10], $0x1, s18, s10, $0xb8;
	[tilespmem:$0x18800] =	vst v63  }
0x70: {  	s17 =	sadd.s32 $0xC580, s16;
	s18 =	sadd.s32 $0x180, s16  }
0x71: {  	[tilespmem:s17], [sflag:$0x1] =	stream.indirect.gather [hbm4b:s3+s10], $0x1, s18, s10, $0xb8;
	[tilespmem:$0x18800] =	vst v63  }
0x72: {  	s17 =	sadd.s32 $0xC600, s16;
	s18 =	sadd.s32 $0x200, s16  }
0x73: {  	[tilespmem:s17], [sflag:$0x1] =	stream.indirect.gather [hbm4b:s3+s10], $0x1, s18, s10, $0xb8;
	[tilespmem:$0x18800] =	vst v63  }
0x74: {  	s17 =	sadd.s32 $0xC680, s16;
	s18 =	sadd.s32 $0x280, s16  }
0x75: {  	[tilespmem:s17], [sflag:$0x1] =	stream.indirect.gather [hbm4b:s3+s10], $0x1, s18, s10, $0xb8;
	[tilespmem:$0x18800] =	vst v63  }
0x76: {  	s17 =	sadd.s32 $0xC700, s16;
	s18 =	sadd.s32 $0x300, s16  }
0x77: {  	[tilespmem:s17], [sflag:$0x1] =	stream.indirect.gather [hbm4b:s3+s10], $0x1, s18, s10, $0xb8;
	[tilespmem:$0x18800] =	vst v63  }
0x78: {  	s17 =	sadd.s32 $0xC780, s16;
	s16 =	sadd.s32 $0x380, s16  }
0x79: {  	[tilespmem:s17], [sflag:$0x1] =	stream.indirect.gather [hbm4b:s3+s10], $0x1, s16, s10, $0xb8;
	[tilespmem:$0x18800] =	vst v63  }
0x7a: {  	_ =	swait.ge [sflag:s11], $0x80  }
0x7b: {  	[sflag:s11] =	ssyncset.done $0x0  }
0x7c: {  	[sflag:s11] =	ssyncadd.s32 $0xFFFFFF80  }
0x7d: {  	_ =	swait.ge [sflag:s11], $0x80  }
0x7e: {  	[sflag:s11] =	ssyncset.done $0x0  }
0x7f: {  	[sflag:s11] =	ssyncadd.s32 $0xFFFFFF80  }
0x80: {  	_ =	swait.ge [sflag:s11], $0x80  }
0x81: {  	[sflag:s11] =	ssyncset.done $0x0  }
0x82: {  	[sflag:s11] =	ssyncadd.s32 $0xFFFFFF80  }
0x83: {  	_ =	swait.ge [sflag:s11], $0x80  }
0x84: {  	[sflag:s11] =	ssyncset.done $0x0  }
0x85: {  	[sflag:s11] =	ssyncadd.s32 $0xFFFFFF80  }
0x86: {  	_ =	swait.ge [sflag:s11], $0x80  }
0x87: {  	[sflag:s11] =	ssyncset.done $0x0  }
0x88: {  	[sflag:s11] =	ssyncadd.s32 $0xFFFFFF80  }
0x89: {  	_ =	swait.ge [sflag:s11], $0x80  }
0x8a: {  	[sflag:s11] =	ssyncset.done $0x0  }
0x8b: {  	[sflag:s11] =	ssyncadd.s32 $0xFFFFFF80  }
.Ltmp3:
0x8c: {  	_ =	swait.ge [sflag:s11], $0x80;
	(pc) =	sbr.rel @p1 .LBB2_6-.Ltmp3, $4  }
0x8d: {  	[sflag:s11] =	ssyncset.done $0x0  }
0x8e: {  	[sflag:s11] =	ssyncadd.s32 $0xFFFFFF80  }
0x8f: {  	_ =	swait.ge [sflag:s11], $0x80  }
0x90: {  	s16 =	sshra.s32 s15, $0x2;
	s17 =	smov.u32 s14;
	[sflag:s11] =	ssyncset.done $0x0  }
.Ltmp4:
0x91: {  	_ = 	snop;
	(pc) =	sbr.rel .LBB2_7-.Ltmp4, $1  }
0x92: {  	_ =	sdelay $0x3  }
.LBB2_2:
0x93: {  	[tilespmem:s14], [sflag:$0x2] =	stream.linear.gather [hbm4b:s4+s14], $0xC400, $0x38;
	[tilespmem:$0x18800] =	vst v63  }
0x94: {  	_ =	swait.ge [sflag:s9], $0xC400  }
0x95: {  	[sflag:s9] =	ssyncset.done $0x0  }
0x96: {  	s16 =	simm.s32 $0x0;
	s15 =	simm.s32 $0xC400;
	[sflag:s9] =	ssyncadd.s32 $0xFFFF3C00  }
0x97: {  	[tilespmem:s15], [sflag:$0x1] =	stream.indirect.gather [hbm4b:s3+s10], $0x1, s16, s10, $0xb8;
	[tilespmem:$0x18800] =	vst v63  }
0x98: {  	s17 =	simm.s32 $0xC480;
	s18 =	simm.s32 $0x80  }
0x99: {  	[tilespmem:s17], [sflag:$0x1] =	stream.indirect.gather [hbm4b:s3+s10], $0x1, s18, s10, $0xb8;
	[tilespmem:$0x18800] =	vst v63  }
0x9a: {  	s19 =	simm.s32 $0xC500;
	s20 =	simm.s32 $0x100  }
0x9b: {  	[tilespmem:s19], [sflag:$0x1] =	stream.indirect.gather [hbm4b:s3+s10], $0x1, s20, s10, $0xb8;
	[tilespmem:$0x18800] =	vst v63  }
0x9c: {  	s21 =	simm.s32 $0xC580;
	s22 =	simm.s32 $0x180  }
0x9d: {  	[tilespmem:s21], [sflag:$0x1] =	stream.indirect.gather [hbm4b:s3+s10], $0x1, s22, s10, $0xb8;
	[tilespmem:$0x18800] =	vst v63  }
0x9e: {  	s23 =	simm.s32 $0xC600;
	s24 =	simm.s32 $0x200  }
0x9f: {  	[tilespmem:s23], [sflag:$0x1] =	stream.indirect.gather [hbm4b:s3+s10], $0x1, s24, s10, $0xb8;
	[tilespmem:$0x18800] =	vst v63  }
0xa0: {  	s25 =	simm.s32 $0xC680;
	s26 =	simm.s32 $0x280  }
0xa1: {  	[tilespmem:s25], [sflag:$0x1] =	stream.indirect.gather [hbm4b:s3+s10], $0x1, s26, s10, $0xb8;
	[tilespmem:$0x18800] =	vst v63  }
0xa2: {  	s28 =	simm.s32 $0xC700;
	s29 =	simm.s32 $0x300  }
0xa3: {  	[tilespmem:s28], [sflag:$0x1] =	stream.indirect.gather [hbm4b:s3+s10], $0x1, s29, s10, $0xb8;
	[tilespmem:$0x18800] =	vst v63  }
0xa4: {  	s30 =	simm.s32 $0xC780;
	s31 =	simm.s32 $0x380  }
0xa5: {  	[tilespmem:s30], [sflag:$0x1] =	stream.indirect.gather [hbm4b:s3+s10], $0x1, s31, s10, $0xb8;
	[tilespmem:$0x18800] =	vst v63  }
0xa6: {  	_ =	swait.ge [sflag:s11], $0x80  }
0xa7: {  	[sflag:s11] =	ssyncset.done $0x0  }
0xa8: {  	[sflag:s11] =	ssyncadd.s32 $0xFFFFFF80  }
0xa9: {  	_ =	swait.ge [sflag:s11], $0x80  }
0xaa: {  	[sflag:s11] =	ssyncset.done $0x0  }
0xab: {  	[sflag:s11] =	ssyncadd.s32 $0xFFFFFF80  }
0xac: {  	_ =	swait.ge [sflag:s11], $0x80  }
0xad: {  	[sflag:s11] =	ssyncset.done $0x0  }
0xae: {  	[sflag:s11] =	ssyncadd.s32 $0xFFFFFF80  }
0xaf: {  	_ =	swait.ge [sflag:s11], $0x80  }
0xb0: {  	[sflag:s11] =	ssyncset.done $0x0  }
0xb1: {  	[sflag:s11] =	ssyncadd.s32 $0xFFFFFF80  }
0xb2: {  	_ =	swait.ge [sflag:s11], $0x80  }
0xb3: {  	[sflag:s11] =	ssyncset.done $0x0  }
0xb4: {  	[sflag:s11] =	ssyncadd.s32 $0xFFFFFF80  }
0xb5: {  	_ =	swait.ge [sflag:s11], $0x80  }
0xb6: {  	[sflag:s11] =	ssyncset.done $0x0  }
0xb7: {  	[sflag:s11] =	ssyncadd.s32 $0xFFFFFF80  }
0xb8: {  	_ =	swait.ge [sflag:s11], $0x80  }
0xb9: {  	[sflag:s11] =	ssyncset.done $0x0  }
0xba: {  	[sflag:s11] =	ssyncadd.s32 $0xFFFFFF80  }
0xbb: {  	_ =	swait.ge [sflag:s11], $0x80  }
0xbc: {  	s16 =	simm.s32 $0x400;
	s17 =	simm.s32 $0x2000;
	[sflag:s11] =	ssyncset.done $0x0  }
.LBB2_3:
0xbd: {  	s18 =	sadd.s32 $0xC400, s16  }
0xbe: {  	[sflag:s11] =	ssyncadd.s32 $0xFFFFFF80;
	s15 =	smov.u32 s17;
	s14 =	sadd.s32 $0x1000, s17  }
0xbf: {  	[tilespmem:s18], [sflag:$0x1] =	stream.indirect.gather [hbm4b:s3+s10], $0x1, s16, s10, $0xb8;
	[tilespmem:$0x18800] =	vst v63  }
0xc0: {  	p1 =	sne.s32 s17, $0x30000;
	s17 =	sadd.s32 $0xC480, s16;
	s18 =	sadd.s32 $0x80, s16  }
0xc1: {  	[tilespmem:s17], [sflag:$0x1] =	stream.indirect.gather [hbm4b:s3+s10], $0x1, s18, s10, $0xb8;
	[tilespmem:$0x18800] =	vst v63  }
0xc2: {  	s17 =	sadd.s32 $0xC500, s16;
	s18 =	sadd.s32 $0x100, s16  }
0xc3: {  	[tilespmem:s17], [sflag:$0x1] =	stream.indirect.gather [hbm4b:s3+s10], $0x1, s18, s10, $0xb8;
	[tilespmem:$0x18800] =	vst v63  }
0xc4: {  	s17 =	sadd.s32 $0xC580, s16;
	s18 =	sadd.s32 $0x180, s16  }
0xc5: {  	[tilespmem:s17], [sflag:$0x1] =	stream.indirect.gather [hbm4b:s3+s10], $0x1, s18, s10, $0xb8;
	[tilespmem:$0x18800] =	vst v63  }
0xc6: {  	s17 =	sadd.s32 $0xC600, s16;
	s18 =	sadd.s32 $0x200, s16  }
0xc7: {  	[tilespmem:s17], [sflag:$0x1] =	stream.indirect.gather [hbm4b:s3+s10], $0x1, s18, s10, $0xb8;
	[tilespmem:$0x18800] =	vst v63  }
0xc8: {  	s17 =	sadd.s32 $0xC680, s16;
	s18 =	sadd.s32 $0x280, s16  }
0xc9: {  	[tilespmem:s17], [sflag:$0x1] =	stream.indirect.gather [hbm4b:s3+s10], $0x1, s18, s10, $0xb8;
	[tilespmem:$0x18800] =	vst v63  }
0xca: {  	s17 =	sadd.s32 $0xC700, s16;
	s18 =	sadd.s32 $0x300, s16  }
0xcb: {  	[tilespmem:s17], [sflag:$0x1] =	stream.indirect.gather [hbm4b:s3+s10], $0x1, s18, s10, $0xb8;
	[tilespmem:$0x18800] =	vst v63  }
0xcc: {  	s17 =	sadd.s32 $0xC780, s16;
	s16 =	sadd.s32 $0x380, s16  }
0xcd: {  	[tilespmem:s17], [sflag:$0x1] =	stream.indirect.gather [hbm4b:s3+s10], $0x1, s16, s10, $0xb8;
	[tilespmem:$0x18800] =	vst v63  }
0xce: {  	_ =	swait.ge [sflag:s11], $0x80  }
0xcf: {  	[sflag:s11] =	ssyncset.done $0x0  }
0xd0: {  	[sflag:s11] =	ssyncadd.s32 $0xFFFFFF80  }
0xd1: {  	_ =	swait.ge [sflag:s11], $0x80  }
0xd2: {  	[sflag:s11] =	ssyncset.done $0x0  }
0xd3: {  	[sflag:s11] =	ssyncadd.s32 $0xFFFFFF80  }
0xd4: {  	_ =	swait.ge [sflag:s11], $0x80  }
0xd5: {  	[sflag:s11] =	ssyncset.done $0x0  }
0xd6: {  	[sflag:s11] =	ssyncadd.s32 $0xFFFFFF80  }
0xd7: {  	_ =	swait.ge [sflag:s11], $0x80  }
0xd8: {  	[sflag:s11] =	ssyncset.done $0x0  }
0xd9: {  	[sflag:s11] =	ssyncadd.s32 $0xFFFFFF80  }
0xda: {  	_ =	swait.ge [sflag:s11], $0x80  }
0xdb: {  	[sflag:s11] =	ssyncset.done $0x0  }
0xdc: {  	[sflag:s11] =	ssyncadd.s32 $0xFFFFFF80  }
0xdd: {  	_ =	swait.ge [sflag:s11], $0x80  }
0xde: {  	[sflag:s11] =	ssyncset.done $0x0  }
0xdf: {  	[sflag:s11] =	ssyncadd.s32 $0xFFFFFF80  }
.Ltmp5:
0xe0: {  	_ =	swait.ge [sflag:s11], $0x80;
	(pc) =	sbr.rel @p1 .LBB2_3-.Ltmp5, $4  }
0xe1: {  	[sflag:s11] =	ssyncset.done $0x0  }
0xe2: {  	[sflag:s11] =	ssyncadd.s32 $0xFFFFFF80  }
0xe3: {  	_ =	swait.ge [sflag:s11], $0x80  }
0xe4: {  	s16 =	sshra.s32 s15, $0x2;
	s17 =	smov.u32 s14;
	[sflag:s11] =	ssyncset.done $0x0  }
0xe5: {  	s14 =	sadd.s32 $0xC400, s16;
	[sflag:s11] =	ssyncadd.s32 $0xFFFFFF80  }
0xe6: {  	[tilespmem:s14], [sflag:$0x1] =	stream.indirect.gather [hbm4b:s3+s10], $0x1, s16, s10, $0xb8;
	[tilespmem:$0x18800] =	vst v63  }
0xe7: {  	s18 =	sadd.s32 $0xC480, s16;
	s15 =	sadd.s32 $0x80, s16  }
0xe8: {  	[tilespmem:s18], [sflag:$0x1] =	stream.indirect.gather [hbm4b:s3+s10], $0x1, s15, s10, $0xb8;
	[tilespmem:$0x18800] =	vst v63  }
0xe9: {  	s19 =	sadd.s32 $0xC500, s16;
	s20 =	sadd.s32 $0x100, s16  }
0xea: {  	[tilespmem:s19], [sflag:$0x1] =	stream.indirect.gather [hbm4b:s3+s10], $0x1, s20, s10, $0xb8;
	[tilespmem:$0x18800] =	vst v63  }
0xeb: {  	s21 =	sadd.s32 $0xC580, s16;
	s22 =	sadd.s32 $0x180, s16  }
0xec: {  	[tilespmem:s21], [sflag:$0x1] =	stream.indirect.gather [hbm4b:s3+s10], $0x1, s22, s10, $0xb8;
	[tilespmem:$0x18800] =	vst v63  }
0xed: {  	s23 =	sadd.s32 $0xC600, s16;
	s24 =	sadd.s32 $0x200, s16  }
0xee: {  	[tilespmem:s23], [sflag:$0x1] =	stream.indirect.gather [hbm4b:s3+s10], $0x1, s24, s10, $0xb8;
	[tilespmem:$0x18800] =	vst v63  }
0xef: {  	s25 =	sadd.s32 $0xC680, s16;
	s26 =	sadd.s32 $0x280, s16  }
0xf0: {  	[tilespmem:s25], [sflag:$0x1] =	stream.indirect.gather [hbm4b:s3+s10], $0x1, s26, s10, $0xb8;
	[tilespmem:$0x18800] =	vst v63  }
0xf1: {  	s28 =	sadd.s32 $0xC700, s16;
	s29 =	sadd.s32 $0x300, s16  }
0xf2: {  	[tilespmem:s28], [sflag:$0x1] =	stream.indirect.gather [hbm4b:s3+s10], $0x1, s29, s10, $0xb8;
	[tilespmem:$0x18800] =	vst v63  }
0xf3: {  	s30 =	sadd.s32 $0xC780, s16;
	s31 =	sadd.s32 $0x380, s16  }
0xf4: {  	[tilespmem:s30], [sflag:$0x1] =	stream.indirect.gather [hbm4b:s3+s10], $0x1, s31, s10, $0xb8;
	[tilespmem:$0x18800] =	vst v63  }
0xf5: {  	_ =	swait.ge [sflag:s11], $0x80  }
0xf6: {  	[sflag:s11] =	ssyncset.done $0x0  }
0xf7: {  	[sflag:s11] =	ssyncadd.s32 $0xFFFFFF80  }
0xf8: {  	_ =	swait.ge [sflag:s11], $0x80  }
0xf9: {  	[sflag:s11] =	ssyncset.done $0x0  }
0xfa: {  	[sflag:s11] =	ssyncadd.s32 $0xFFFFFF80  }
0xfb: {  	_ =	swait.ge [sflag:s11], $0x80  }
0xfc: {  	[sflag:s11] =	ssyncset.done $0x0  }
0xfd: {  	[sflag:s11] =	ssyncadd.s32 $0xFFFFFF80  }
0xfe: {  	_ =	swait.ge [sflag:s11], $0x80  }
0xff: {  	[sflag:s11] =	ssyncset.done $0x0  }
0x100: {  	[sflag:s11] =	ssyncadd.s32 $0xFFFFFF80  }
0x101: {  	_ =	swait.ge [sflag:s11], $0x80  }
0x102: {  	[sflag:s11] =	ssyncset.done $0x0  }
0x103: {  	[sflag:s11] =	ssyncadd.s32 $0xFFFFFF80  }
0x104: {  	_ =	swait.ge [sflag:s11], $0x80  }
0x105: {  	[sflag:s11] =	ssyncset.done $0x0  }
0x106: {  	[sflag:s11] =	ssyncadd.s32 $0xFFFFFF80  }
0x107: {  	_ =	swait.ge [sflag:s11], $0x80  }
0x108: {  	[sflag:s11] =	ssyncset.done $0x0  }
0x109: {  	[sflag:s11] =	ssyncadd.s32 $0xFFFFFF80  }
0x10a: {  	_ =	swait.ge [sflag:s11], $0x80  }
0x10b: {  	[sflag:s11] =	ssyncset.done $0x0  }
.Ltmp6:
0x10c: {  	[sflag:s11] =	ssyncadd.s32 $0xFFFFFF80;
	(pc) =	sbr.rel .LBB2_8-.Ltmp6, $4  }
0x10d: {  	[hbm4b:s5+s2] =	stream.linear.scatter [tilespmem:s12], [sflag:$0x2], $0xC400, $0x38;
	[tilespmem:$0x18800] =	vst v63  }
0x10e: {  	_ =	swait.ge [sflag:s9], $0xC400  }
0x10f: {  	[sflag:s9] =	ssyncset.done $0x0  }
0x110: {  	[sflag:s9] =	ssyncadd.s32 $0xFFFF3C00  }
.LBB2_9:
0x111: {  	_ =	sfence.sel $0x180000  }
0x112: {  	[bflag:$0x0] =	sbarrier.arrive $0xFFFF  }
0x113: {  	p0 =	sne.s32 s1, $0x0;
	_ =	strace $0x9000004A  }
0x114: {  	s0 =	sadd.s32 @!p0 $0x100000, s0;
	[bflag:$0x2] =	sbarrier.arrive $0xFFFF  }
0x115: {  	[sflag:s0] =	ssyncadd.tile.s32 @!p0 $0x1;
	_ =	shalt  }
.Lfunc_end2:
_tile_overlayer_lowered:
.L_overlay_start_2:
0x116: {  	(tag) =	ssettag $0x2  }
0x117: {  	s0 =	rddreg [dreg:$0x0];
	s2 =	stileid.u32  }
0x118: {  	s1 =	rddreg [dreg:$0x1];
	p0 =	sne.s32 s2, $0x0  }
0x119: {  	s3 =	rddreg [dreg:$0x2];
	[bflag:$0x3] =	sbarrier.arrive $0xFFFF;
	s2 =	simm.s32 @!p0 $0x1C02  }
0x11a: {  	[timem:s3], [sflag:s2] =	dma.local @!p0 [hbm:s0], s1  }
0x11b: {  	s0 =	simm.s32 @!p0 $0x2  }
0x11c: {  	_ =	swait.ge @!p0 [sflag:s0], s1  }
0x11d: {  	s1 =	ssub.s32 @!p0 $0x0, s1;
	[sflag:s0] =	ssyncset.done @!p0 $0x0  }
0x11e: {  	[sflag:s0] =	ssyncadd.s32 @!p0 s1  }
0x11f: {  	[bflag:$0x3] =	sbarrier.arrive $0xFFFF  }
0x120: {  	_ =	shalt  }

// kernel: kernel.8.cloned.1.call-start
scs
__scs_entry_jumppad:
0x0: {  	(pc) =	sbr.rel $0x88, $3  }
0x1: {  	(tag) =	ssettag $0x0;
	lr =	simm.s32 $0x1  }
0x2: {  	[smem:$0x3F99] =	sst lr;
	_ =	strace $0xD0000000  }
0x3: {  	_ = 	snop  }
0x4: {  	_ = 	snop  }
0x5: {  	_ = 	snop  }
0x6: {  	_ = 	snop  }
0x7: {  	_ = 	snop  }
__scs_overlays_trampoline_lowered:
0x8: {  	[smem:$0x3FA8] =	sst s0  }
0x9: {  	[smem:$0x3FA9] =	sst s1  }
0xa: {  	[smem:$0x3FAA] =	sst s2  }
0xb: {  	[smem:$0x3FAB] =	sst s3  }
0xc: {  	[smem:$0x3FAC] =	sst s4  }
0xd: {  	[smem:$0x3FAD] =	sst s5  }
0xe: {  	[smem:$0x3FAE] =	sst s6  }
0xf: {  	[smem:$0x3FAF] =	sst s7  }
0x10: {  	[smem:$0x3FB0] =	sst s8  }
0x11: {  	[smem:$0x3FB1] =	sst s9;
	s0 =	simm.s32 @!p0 $0x0  }
0x12: {  	s1 =	sld [smem:$0x3F97];
	s0 =	simm.s32 @p0 $0x1  }
0x13: {  	[smem:$0x3FB2] =	sst s0;
	s0 =	simm.s32 @!p1 $0x0  }
0x14: {  	s2 =	sld [smem:$0x3F96];
	s0 =	simm.s32 @p1 $0x1  }
0x15: {  	[smem:$0x3FB3] =	sst s0;
	s0 =	simm.s32 @!p2 $0x0  }
0x16: {  	s3 =	sld [smem:$0x3FDB];
	s0 =	simm.s32 @p2 $0x1  }
0x17: {  	s4 =	simm.s32 $0x1BF5;
	[smem:$0x3FB5] =	sst s0  }
0x18: {  	s0 =	sld [smem:$0x3F98];
	_ =	swait.ge [sflag:s4], $0x0  }
0x19: {  	s7 =	sld [smem:$0x3F99]  }
0x1a: {  	s8 =	sadd.s32 $0xFFFFE003, lr  }
0x1b: {  	s9 =	sadd.s32 $0xFFFFFEF7, lr;
	s5 =	simm.s32 $0xFFFFFFFF;
	p2 =	slt.u32 s8, $0xFFFFF086  }
0x1c: {  	p1 =	slt.u32 s9, $0xF7A;
	s5 =	simm.s32 @!p2 $0x0  }
0x1d: {  	s5 =	simm.s32 @p1 $0x1;
	p0 =	seq.s32 s7, s2  }
0x1e: {  	s7 =	smul.u32 @!p0 $0xF7A, s2;
	p2 =	seq.s32 @!p0 s5, $0x0  }
0x1f: {  	s9 =	smul.u32 $0xF7A, s1;
	s8 =	simm.s32 @!p0 $0x1BF5;
	p2 =	por !p2, p0  }
0x20: {  	[sflag:s8] =	ssyncset.s32 @!p0 $0xFFFFF086;
	s6 =	sadd.s32 @!p0 s3, s7;
	s7 =	simm.s32 @!p0 $0x108  }
0x21: {  	s3 =	sadd.s32 s3, s9;
	s6 =	sadd.s32 @!p0 $0x88, s6;
	s7 =	simm.s32 @p2 $0x1082  }
0x22: {  	[simem:s7], [sflag:s8] =	dma.local @!p0 [hbm:s6], $0xF7A  }
0x23: {  	s9 =	sor.u32 $0xD0000000, s2;
	s6 =	simm.s32 $0x108;
	_ =	swait.ge @!p0 [sflag:s8], $0x0  }
0x24: {  	s3 =	sadd.s32 $0x88, s3;
	s6 =	simm.s32 @!p1 $0x1082;
	[sflag:s4] =	ssyncset.s32 $0xFFFFF086  }
0x25: {  	[simem:s6], [sflag:s4] =	dma.local [hbm:s3], $0xF7A  }
0x26: {  	[smem:$0x3F99] =	sst s1;
	(tag) =	ssettag s2;
	_ =	strace s9  }
0x27: {  	s1 =	sld [smem:$0x3FA9]  }
0x28: {  	s2 =	sld [smem:$0x3FAA]  }
0x29: {  	s4 =	sld [smem:$0x3FAC]  }
0x2a: {  	p0 =	seq.s32 s5, $0x0;
	s5 =	sld [smem:$0x3FAD]  }
0x2b: {  	s6 =	sld [smem:$0x3FAE]  }
0x2c: {  	s7 =	sld [smem:$0x3FAF]  }
0x2d: {  	s3 =	simm.s32 $0x108;
	s8 =	sld [smem:$0x3FB0]  }
0x2e: {  	s3 =	simm.s32 @!p0 $0x1082;
	s9 =	sld [smem:$0x3FB1]  }
0x2f: {  	lr =	sadd.s32 s0, s3;
	s0 =	sld [smem:$0x3FA8]  }
0x30: {  	s3 =	sld [smem:$0x3FAB]  }
0x31: {  	[smem:$0x3FB4] =	sst s10  }
0x32: {  	s10 =	sld [smem:$0x3FB2];
	_ =	sdelay $0x3  }
0x33: {  	p0 =	seq.s32 s10, $0x1;
	s10 =	sld [smem:$0x3FB4];
	_ =	sdelay $0x3  }
0x34: {  	[smem:$0x3FB4] =	sst s10  }
0x35: {  	s10 =	sld [smem:$0x3FB3];
	_ =	sdelay $0x3  }
0x36: {  	p1 =	seq.s32 s10, $0x1;
	s10 =	sld [smem:$0x3FB4];
	_ =	sdelay $0x3  }
0x37: {  	[smem:$0x3FB4] =	sst s10  }
0x38: {  	s10 =	sld [smem:$0x3FB5]  }
0x39: {  	_ = 	snop;
	(pc) =	sbr.ind lr, $3  }
0x3a: {  	_ = 	snop  }
0x3b: {  	_ = 	snop  }
0x3c: {  	p2 =	seq.s32 s10, $0x1;
	s10 =	sld [smem:$0x3FB4]  }
0x3d: {  	_ =	shalt  }
0x3e: {  	_ =	shalt  }
0x3f: {  	_ =	shalt  }
0x40: {  	_ =	shalt  }
0x41: {  	_ =	shalt  }
0x42: {  	_ =	shalt  }
0x43: {  	_ =	shalt  }
0x44: {  	_ =	shalt  }
0x45: {  	_ =	shalt  }
0x46: {  	_ =	shalt  }
0x47: {  	_ =	shalt  }
0x48: {  	_ =	shalt  }
0x49: {  	_ =	shalt  }
0x4a: {  	_ =	shalt  }
0x4b: {  	_ =	shalt  }
0x4c: {  	_ =	shalt  }
0x4d: {  	_ =	shalt  }
0x4e: {  	_ =	shalt  }
0x4f: {  	_ =	shalt  }
0x50: {  	_ =	shalt  }
0x51: {  	_ =	shalt  }
0x52: {  	_ =	shalt  }
0x53: {  	_ =	shalt  }
0x54: {  	_ =	shalt  }
0x55: {  	_ =	shalt  }
0x56: {  	_ =	shalt  }
0x57: {  	_ =	shalt  }
0x58: {  	_ =	shalt  }
0x59: {  	_ =	shalt  }
0x5a: {  	_ =	shalt  }
0x5b: {  	_ =	shalt  }
0x5c: {  	_ =	shalt  }
0x5d: {  	_ =	shalt  }
0x5e: {  	_ =	shalt  }
0x5f: {  	_ =	shalt  }
0x60: {  	_ =	shalt  }
0x61: {  	_ =	shalt  }
0x62: {  	_ =	shalt  }
0x63: {  	_ =	shalt  }
0x64: {  	_ =	shalt  }
0x65: {  	_ =	shalt  }
0x66: {  	_ =	shalt  }
0x67: {  	_ =	shalt  }
0x68: {  	_ =	shalt  }
0x69: {  	_ =	shalt  }
0x6a: {  	_ =	shalt  }
0x6b: {  	_ =	shalt  }
0x6c: {  	_ =	shalt  }
0x6d: {  	_ =	shalt  }
0x6e: {  	_ =	shalt  }
0x6f: {  	_ =	shalt  }
0x70: {  	_ =	shalt  }
0x71: {  	_ =	shalt  }
0x72: {  	_ =	shalt  }
0x73: {  	_ =	shalt  }
0x74: {  	_ =	shalt  }
0x75: {  	_ =	shalt  }
0x76: {  	_ =	shalt  }
0x77: {  	_ =	shalt  }
0x78: {  	_ =	shalt  }
0x79: {  	_ =	shalt  }
0x7a: {  	_ =	shalt  }
0x7b: {  	_ =	shalt  }
0x7c: {  	_ =	shalt  }
0x7d: {  	_ =	shalt  }
0x7e: {  	_ =	shalt  }
0x7f: {  	_ =	shalt  }
0x80: {  	_ =	shalt  }
0x81: {  	_ =	shalt  }
0x82: {  	_ =	shalt  }
0x83: {  	_ =	shalt  }
0x84: {  	_ =	shalt  }
0x85: {  	_ =	shalt  }
0x86: {  	_ =	shalt  }
0x87: {  	_ =	shalt  }
.Lfunc_end0:
.L_simem_size_0:
called_computation_lowered:
.L_overlay_start_0:
0x88: {  	s2 =	sld [smem:$0x3FD9]  }
0x89: {  	s3 =	sld [smem:$0x3FFE];
	_ =	sdelay $0x1  }
0x8a: {  	s1 =	srdreg.scid  }
0x8b: {  	s0 =	sand.u32 $0x1, s1  }
0x8c: {  	s17 =	sshll.u32 s0, $0xA;
	s2 =	sadd.s32 s3, s2  }
0x8d: {  	s2 =	sadd.s32 s2, s17  }
0x8e: {  	[smem:$0x3FC0] =	sst s2  }
0x8f: {  	_ = 	snop  }
0x90: {  	s2 =	sld [smem:$0x3FC9]  }
0x91: {  	s18 =	sld [smem:$0x3FC6]  }
0x92: {  	s4 =	sld [smem:$0x3FD0];
	(tm) =	ssettm $0x1  }
0x93: {  	s5 =	sld [smem:$0x3FFB];
	_ =	sdelay $0x3  }
0x94: {  	_ =	strace s5  }
0x95: {  	s5 =	sld [smem:$0x3FFC];
	_ =	sdelay $0x3  }
0x96: {  	_ =	strace s5  }
0x97: {  	s5 =	sld [smem:$0x3FFD];
	_ =	sdelay $0x3  }
0x98: {  	_ =	strace s5  }
0x99: {  	_ =	strace $0x8FFFFFFF  }
0x9a: {  	s19 =	sld [smem:$0x3FDB];
	_ =	sdelay $0x1  }
0x9b: {  	s6 =	simm.s32 $_scs_section_size  }
0x9c: {  	s7 =	simm.s32 $_size__tile_overlayer_lowered;
	s8 =	simm.s32 $_tile_overlayer_lowered  }
0x9d: {  	s22 =	simm.s32 $0x1BFF;
	s21 =	sshll.u32 s8, $0x1;
	s5 =	sadd.s32 s6, s19  }
0x9e: {  	s9 =	simm.s32 $0x0;
	s20 =	sshll.u32 s7, $0x1;
	s7 =	sadd.s32 s21, s5  }
0x9f: {  	[timem:s9], [sflag:s22] =	dma.local [hbm:s7], s20  }
0xa0: {  	_ =	swait.ge [sflag:s22], s20  }
0xa1: {  	s6 =	ssub.s32 $0x0, s20;
	[sflag:s22] =	ssyncset.done $0x0  }
0xa2: {  	[sflag:s22] =	ssyncadd.s32 s6;
	_ =	sdelay $0x1  }
0xa3: {  	s23 =	simm.s32 $0x1B8B  }
0xa4: {  	_ =	swait.ge [sflag:s23], $0x1  }
0xa5: {  	[sflag:s23] =	ssyncset.done $0x0  }
0xa6: {  	s25 =	simm.s32 $0x1B8E;
	s24 =	sld [smem:$0x3FFE];
	[sflag:s23] =	ssyncadd.s32 $0xFFFFFFFF  }
0xa7: {  	s26 =	simm.s32 $execute0_lowered;
	[smem:$0x3FD2] =	sst s25  }
0xa8: {  	s7 =	sshll.u32 s26, $0x1;
	_ =	strace $0x80000046;
	[dreg:$0x1] =	wrdreg $0xFFFFFFFF  }
0xa9: {  	s28 =	simm.s32 $_size_execute0_lowered;
	s5 =	sadd.s32 s5, s7;
	[dreg:$0x0] =	wrdreg $0x0  }
0xaa: {  	s7 =	sshll.u32 s28, $0x1;
	[dreg:$0x2] =	wrdreg s5  }
0xab: {  	[dreg:$0x3] =	wrdreg s7  }
0xac: {  	[dreg:$0x4] =	wrdreg $0xC0  }
0xad: {  	_ =	task [dreg:s9], $0x5FFFF  }
0xae: {  	[dreg:$0x1] =	wrdreg $0xFFFFFFFF  }
0xaf: {  	[dreg:$0x0] =	wrdreg $0x60  }
0xb0: {  	[dreg:$0x2] =	wrdreg s18  }
0xb1: {  	[dreg:$0x3] =	wrdreg s2  }
0xb2: {  	[dreg:$0x4] =	wrdreg s24  }
0xb3: {  	[dreg:$0x5] =	wrdreg s4  }
0xb4: {  	[dreg:$0x6] =	wrdreg $0x9  }
0xb5: {  	_ =	task.clear_ibuf [dreg:s9], $0x7FFFF;
	_ =	strace $0x90000046  }
0xb6: {  	s29 =	simm.s32 $0x9;
	_ =	strace $0x80000048  }
0xb7: {  	_ =	swait.ge [sflag:s29], $0x1  }
0xb8: {  	[sflag:s29] =	ssyncadd.s32 $0xFFFFFFFF  }
0xb9: {  	_ =	strace $0x90000048  }
0xba: {  	_ =	sfence  }
0xbb: {  	s30 =	sld [smem:$0x0];
	_ =	sdelay $0x2  }
0xbc: {  	s31 =	sshll.u32 s1, $0xD;
	s1 =	sshrl.u32 s1, $0x2  }
0xbd: {  	s3 =	sand.u32 $0x4000, s31;
	s1 =	sadd.s32 s1, s30  }
0xbe: {  	s0 =	sor.u32 s3, s0;
	s1 =	sshll.u32 s1, $0x11  }
0xbf: {  	s0 =	sor.u32 s1, s0  }
0xc0: {  	s0 =	sadd.s32 $0x8F2B, s0  }
0xc1: {  	[sflag:s0] =	ssyncadd.remote.s32 $0x1  }
0xc2: {  	_ =	sfence.sel $0xFFFF  }
0xc3: {  	[dreg:$0x0] =	wrdreg $0xFFFFFFFF;
	(pc) =	sbr.abs _section_cstart, $3  }
0xc4: {  	[dreg:$0x1] =	wrdreg $0xFFFFFFFF  }
0xc5: {  	_ =	task.clear_ibuf [dreg:s9], $0x2FFFF;
	_ =	strace $0x9FFFFFFF  }
0xc6: {  	(tm) =	ssettm $0x7FFFFFFF  }
0xc7: {  	_ =	shalt  }
tec
execute0_lowered:
.L_overlay_start_1:
0x0: {  	(tag) =	ssettag $0x1  }
0x1: {  	s1 =	rddreg [dreg:$0x0]  }
0x2: {  	s4 =	rddreg [dreg:$0x1]  }
0x3: {  	s3 =	rddreg [dreg:$0x2]  }
0x4: {  	s5 =	rddreg [dreg:$0x3]  }
0x5: {  	s0 =	rddreg [dreg:$0x4];
	s2 =	simm.s32 $0x0;
	s6 =	srdreg.scid  }
0x6: {  	s15 =	simm.s32 $0x1;
	s16 =	simm.s32 $0x4080;
	s17 =	simm.s32 $0x10480  }
0x7: {  	s18 =	simm.s32 $0x0;
	[smem:$0x7FF] =	sst s2;
	s9 =	sadd.s32 $0x20A00, s3  }
0x8: {  	s10 =	sadd.s32 $0x1A00, s3;
	s6 =	sand.u32 $0x1, s6;
	s11 =	sadd.s32 $0x3FA00, s3  }
0x9: {  	s3 =	stileid.u32;
	_ =	strace $0x80000047;
	s7 =	ssub.s32 $0x2, s6  }
0xa: {  	s12 =	sshll.u32 s3, $0x8;
	s13 =	sshll.u32 s6, $0x7;
	s28 =	smul.u32 $0x3400, s3  }
0xb: {  	s29 =	smul.u32 $0x1880, s3;
	p0 =	seq.s32 s6, $0x1;
	s8 =	sshrl.u32 s7, $0x1  }
0xc: {  	s26 =	sor.u32 s13, s12;
	s13 =	simm.s32 $0x2;
	s14 =	ssub.s32 s7, s8  }
.Ltmp0:
0xd: {  	s12 =	sshrl.u32 s26, $0x3;
	s7 =	sshll.u32 s26, $0x4;
	(pc) =	sbr.rel .LBB2_1-.Ltmp0, $4  }
0xe: {  	s30 =	sshrl.u32 s28, $0x3;
	s6 =	sadd.s32 s9, s29;
	s8 =	sadd.s32 s11, s29  }
0xf: {  	s4 =	sadd.s32 s4, s12;
	s5 =	sadd.s32 s5, s7;
	s31 =	sadd.s32 $0x18800, s30  }
0x10: {  	s7 =	sadd.s32 s10, s29;
	s12 =	smax.u32 s14, $0x1;
	s14 =	simm.s32 $0x80  }
0x11: {  	s9 =	sadd.s32 s9, s31;
	s10 =	sadd.s32 s10, s31;
	s11 =	sadd.s32 s11, s31  }
.LBB2_7:
0x12: {  	v18 =	vand.u32 $0xFFF80000, v18;
	v7 =	vshll.u32 v7, $0x7;
	v19 =	vand.u32 $0x7F, v8  }
0x13: {  	v4 =	vand.u32 $0x7F, v4;
	v17 =	vand.u32 $0xFFF80000, v17;
	v57 =	vshll.u32 v8, $0xC  }
0x14: {  	v56 =	vld [tilespmem:s19+$0x4090];
	v58 =	vshll.u32 v14, $0x7;
	v11 =	vshll.u32 v11, $0x7;
	v7 =	vadd.s32 v7, v18  }
0x15: {  	v60 =	vshll.u32 v13, $0x7;
	v8 =	vadd.s32 v58, v17;
	v4 =	vor.u32 v4, v7  }
0x16: {  	v61 =	vadd.s32 v60, v10;
	v7 =	vand.u32 $0xFFF80000, v57;
	v8 =	vor.u32 v16, v8;
	[tilespmem:s19+$0x40A0] =	vst v4  }
0x17: {  	v59 =	vand.u32 $0xFFF80000, v12;
	v3 =	vor.u32 v3, v61;
	v7 =	vadd.s32 v15, v7;
	[tilespmem:s19+$0x40D0] =	vst v8  }
0x18: {  	v62 =	vshll.u32 v9, $0x7;
	v4 =	vadd.s32 v11, v59;
	[tilespmem:s19+$0x40E0] =	vst v3;
	v7 =	vor.u32 v19, v7  }
0x19: {  	v4 =	vor.u32 v5, v4;
	v5 =	vadd.s32 v62, v6;
	[tilespmem:s19+$0x40C0] =	vst v7;
	v63 =	vshll.u32 v56, $0x7  }
0x1a: {  	[tilespmem:s19+$0x40B0] =	vst v4;
	v2 =	vor.u32 v2, v5;
	v1 =	vadd.s32 v63, v1  }
0x1b: {  	[tilespmem:s19+$0x4080] =	vst v2;
	v0 =	vor.u32 v0, v1  }
0x1c: {  	[tilespmem:s19+$0x4090] =	vst v0  }
0x1d: {  	[hbm4b:s11+s2] =	stream.linear.scatter [tilespmem:s16], [sflag:$0x2], $0x3400, $0x38;
	[tilespmem:$0x1C880] =	vst v63  }
0x1e: {  	_ =	swait.ge [sflag:s13], $0x3400  }
0x1f: {  	[sflag:s13] =	ssyncset.done $0x0  }
0x20: {  	[sflag:s13] =	ssyncadd.s32 $0xFFFFCC00  }
.LBB2_8:
0x21: {  	s18 =	sadd.s32 $0x1, s18  }
0x22: {  	p1 =	sne.s32 s18, s12  }
.Ltmp1:
0x23: {  	_ = 	snop;
	(pc) =	sbr.rel @!p1 .LBB2_9-.Ltmp1, $1  }
0x24: {  	_ =	sdelay $0x3  }
.LBB2_1:
0x25: {  	[tilespmem:s2], [sflag:$0x2] =	stream.linear.gather [hbm4b:s4+s2], $0x80, $0x38;
	[tilespmem:$0x1C880] =	vst v63  }
0x26: {  	_ =	swait.ge [sflag:s13], $0x80  }
0x27: {  	[sflag:s13] =	ssyncset.done $0x0  }
0x28: {  	[sflag:s13] =	ssyncadd.s32 $0xFFFFFF80  }
0x29: {  	[tilespmem:s14], [sflag:$0x1] =	stream.indirect.gather [hbm4b:s1+s14], $0x80, s2, s14, $0xb8;
	[tilespmem:$0x1C880] =	vst v63  }
0x2a: {  	_ =	swait.ge [sflag:s15], $0x4000  }
0x2b: {  	[sflag:s15] =	ssyncset.done $0x0  }
.Ltmp2:
0x2c: {  	[sflag:s15] =	ssyncadd.s32 $0xFFFFC000;
	(pc) =	sbr.rel @!p0 .LBB2_2-.Ltmp2, $4  }
0x2d: {  	[hbm4b:s5+s2] =	stream.linear.scatter [tilespmem:s14], [sflag:$0x2], $0x4000, $0x38;
	[tilespmem:$0x1C880] =	vst v63  }
0x2e: {  	_ =	swait.ge [sflag:s13], $0x4000  }
0x2f: {  	[sflag:s13] =	ssyncset.done $0x0  }
0x30: {  	s19 =	simm.s32 $0x0;
	[sflag:s13] =	ssyncadd.s32 $0xFFFFC000  }
0x31: {  	[tilespmem:s16], [sflag:$0x2] =	stream.linear.gather [hbm4b:s9+s19], $0x3400, $0x38;
	[tilespmem:$0x1C880] =	vst v63  }
0x32: {  	_ =	swait.ge [sflag:s13], $0x3400  }
0x33: {  	[sflag:s13] =	ssyncset.done $0x0  }
0x34: {  	[sflag:s13] =	ssyncadd.s32 $0xFFFFCC00  }
0x35: {  	[tilespmem:s17], [sflag:$0x2] =	stream.linear.gather [hbm4b:s10+s19], $0x3400, $0x38;
	[tilespmem:$0x1C880] =	vst v63  }
0x36: {  	_ =	swait.ge [sflag:s13], $0x3400  }
0x37: {  	[sflag:s13] =	ssyncset.done $0x0  }
0x38: {  	s19 =	simm.s32 $0x0;
	[sflag:s13] =	ssyncadd.s32 $0xFFFFCC00  }
0x39: {  	v0 =	vld [tilespmem:s19+$0x40F0]  }
0x3a: {  	v1 =	vld [tilespmem:s19+$0x104F0]  }
0x3b: {  	v2 =	vld [tilespmem:s19+$0x10480]  }
0x3c: {  	v9 =	vld [tilespmem:s19+$0x104B0]  }
0x3d: {  	v4 =	vld [tilespmem:s19+$0x104A0]  }
0x3e: {  	v16 =	vld [tilespmem:s19+$0x104D0]  }
0x3f: {  	v15 =	vld [tilespmem:s19+$0x40C0]  }
0x40: {  	v6 =	vld [tilespmem:s19+$0x104E0]  }
0x41: {  	v5 =	vld [tilespmem:s19+$0x10490];
	v3 =	vshll.u32 v1, $0xC;
	v0 =	vshll.u32 v0, $0x7;
	v1 =	vand.u32 $0x7F, v1  }
0x42: {  	v7 =	vld [tilespmem:s19+$0x40A0];
	v19 =	vshll.u32 v2, $0xC;
	v2 =	vand.u32 $0x7F, v2;
	v12 =	vshll.u32 v9, $0xC  }
0x43: {  	v8 =	vld [tilespmem:s19+$0x104C0];
	v18 =	vshll.u32 v4, $0xC;
	v17 =	vshll.u32 v16, $0xC;
	v3 =	vand.u32 $0xFFF80000, v3  }
0x44: {  	v11 =	vld [tilespmem:s19+$0x40B0];
	v15 =	vshll.u32 v15, $0x7;
	v16 =	vand.u32 $0x7F, v16;
	v0 =	vadd.s32 v0, v3  }
0x45: {  	v14 =	vld [tilespmem:s19+$0x40D0];
	v3 =	vand.u32 $0x7F, v6;
	v6 =	vshll.u32 v6, $0xC;
	v1 =	vor.u32 v1, v0  }
0x46: {  	v13 =	vld [tilespmem:s19+$0x40E0];
	v0 =	vand.u32 $0x7F, v5;
	v10 =	vand.u32 $0xFFF80000, v6;
	[tilespmem:s19+$0x40F0] =	vst v1;
	v1 =	vshll.u32 v5, $0xC  }
0x47: {  	s20 =	simm.s32 $0x200;
	v6 =	vand.u32 $0xFFF80000, v19;
	v5 =	vand.u32 $0x7F, v9;
	v9 =	vld [tilespmem:s19+$0x4080];
	v1 =	vand.u32 $0xFFF80000, v1  }
.LBB2_6:
0x48: {  	s21 =	sshra.s32 s20, $0x2;
	p1 =	sne.s32 s20, $0xCE00;
	s20 =	sadd.s32 $0x200, s20;
	v19 =	vld [tilespmem:s19+$0x4090];
	v18 =	vand.u32 $0xFFF80000, v18;
	v7 =	vshll.u32 v7, $0x7;
	v20 =	vand.u32 $0x7F, v8  }
0x49: {  	v4 =	vand.u32 $0x7F, v4;
	v17 =	vand.u32 $0xFFF80000, v17;
	v21 =	vld [tilespmem:s21+$0x40F0];
	v7 =	vadd.s32 v7, v18  }
0x4a: {  	v8 =	vshll.u32 v8, $0xC;
	v18 =	vld [tilespmem:s21+$0x104F0];
	v4 =	vor.u32 v4, v7;
	v7 =	vshll.u32 v11, $0x7  }
0x4b: {  	v11 =	vshll.u32 v14, $0x7;
	v22 =	vld [tilespmem:s21+$0x10480];
	[tilespmem:s19+$0x40A0] =	vst v4;
	v4 =	vand.u32 $0xFFF80000, v12;
	v12 =	vshll.u32 v13, $0x7  }
0x4c: {  	v13 =	vld [tilespmem:s21+$0x104E0];
	v4 =	vadd.s32 v7, v4;
	v7 =	vand.u32 $0xFFF80000, v8;
	v8 =	vadd.s32 v11, v17  }
0x4d: {  	v10 =	vadd.s32 v12, v10;
	v11 =	vld [tilespmem:s21+$0x10490];
	v7 =	vadd.s32 v15, v7;
	v8 =	vor.u32 v16, v8  }
0x4e: {  	v5 =	vor.u32 v5, v4;
	v3 =	vor.u32 v3, v10;
	v12 =	vld [tilespmem:s21+$0x104B0];
	v7 =	vor.u32 v20, v7;
	[tilespmem:s19+$0x40D0] =	vst v8  }
0x4f: {  	v9 =	vshll.u32 v9, $0x7;
	v10 =	vshll.u32 v19, $0x7;
	v4 =	vld [tilespmem:s21+$0x104A0];
	v8 =	vshll.u32 v18, $0xC;
	[tilespmem:s19+$0x40C0] =	vst v7  }
0x50: {  	v6 =	vadd.s32 v9, v6;
	v14 =	vshll.u32 v21, $0x7;
	v16 =	vld [tilespmem:s21+$0x104D0];
	v8 =	vand.u32 $0xFFF80000, v8;
	[tilespmem:s19+$0x40B0] =	vst v5  }
0x51: {  	v2 =	vor.u32 v2, v6;
	v7 =	vld [tilespmem:s21+$0x40A0];
	v5 =	vadd.s32 v14, v8;
	v8 =	vand.u32 $0x7F, v18;
	[tilespmem:s19+$0x40E0] =	vst v3  }
0x52: {  	v1 =	vadd.s32 v10, v1;
	v6 =	vand.u32 $0x7F, v11;
	v15 =	vld [tilespmem:s21+$0x40C0];
	v5 =	vor.u32 v8, v5;
	[tilespmem:s19+$0x4080] =	vst v2  }
.Ltmp3:
0x53: {  	v1 =	vor.u32 v0, v1;
	v19 =	vshll.u32 v22, $0xC;
	v3 =	vand.u32 $0x7F, v13;
	v8 =	vld [tilespmem:s21+$0x104C0];
	[tilespmem:s21+$0x40F0] =	vst v5;
	v0 =	vmovc v6;
	(pc) =	sbr.rel @p1 .LBB2_6-.Ltmp3, $4  }
0x54: {  	v9 =	vshll.u32 v13, $0xC;
	v6 =	vshll.u32 v11, $0xC;
	v5 =	vand.u32 $0x7F, v12;
	v11 =	vld [tilespmem:s21+$0x40B0];
	[tilespmem:s19+$0x4090] =	vst v1;
	s19 =	smov.u32 s21  }
0x55: {  	v2 =	vand.u32 $0x7F, v22;
	v12 =	vshll.u32 v12, $0xC;
	v1 =	vand.u32 $0xFFF80000, v6;
	v14 =	vld [tilespmem:s19+$0x40D0]  }
0x56: {  	v10 =	vand.u32 $0xFFF80000, v9;
	v18 =	vshll.u32 v4, $0xC;
	v17 =	vshll.u32 v16, $0xC;
	v13 =	vld [tilespmem:s19+$0x40E0]  }
0x57: {  	v6 =	vand.u32 $0xFFF80000, v19;
	v16 =	vand.u32 $0x7F, v16;
	v9 =	vld [tilespmem:s19+$0x4080];
	v15 =	vshll.u32 v15, $0x7  }
.Ltmp4:
0x58: {  	_ = 	snop;
	(pc) =	sbr.rel .LBB2_7-.Ltmp4, $1  }
0x59: {  	_ =	sdelay $0x3  }
.LBB2_2:
0x5a: {  	[tilespmem:s16], [sflag:$0x2] =	stream.linear.gather [hbm4b:s6+s19], $0xC400, $0x38;
	[tilespmem:$0x1C880] =	vst v63  }
0x5b: {  	_ =	swait.ge [sflag:s13], $0xC400  }
0x5c: {  	[sflag:s13] =	ssyncset.done $0x0  }
0x5d: {  	[sflag:s13] =	ssyncadd.s32 $0xFFFF3C00  }
0x5e: {  	[tilespmem:s17], [sflag:$0x2] =	stream.linear.gather [hbm4b:s7+s19], $0xC400, $0x38;
	[tilespmem:$0x1C880] =	vst v63  }
0x5f: {  	_ =	swait.ge [sflag:s13], $0xC400  }
0x60: {  	[sflag:s13] =	ssyncset.done $0x0  }
0x61: {  	s19 =	simm.s32 $0x0;
	[sflag:s13] =	ssyncadd.s32 $0xFFFF3C00  }
0x62: {  	v0 =	vld [tilespmem:s19+$0x40F0]  }
0x63: {  	v1 =	vld [tilespmem:s19+$0x104F0]  }
0x64: {  	v2 =	vld [tilespmem:s19+$0x10480]  }
0x65: {  	v9 =	vld [tilespmem:s19+$0x104B0]  }
0x66: {  	v4 =	vld [tilespmem:s19+$0x104A0]  }
0x67: {  	v16 =	vld [tilespmem:s19+$0x104D0]  }
0x68: {  	v15 =	vld [tilespmem:s19+$0x40C0]  }
0x69: {  	v6 =	vld [tilespmem:s19+$0x104E0]  }
0x6a: {  	v5 =	vld [tilespmem:s19+$0x10490];
	v3 =	vshll.u32 v1, $0xC;
	v0 =	vshll.u32 v0, $0x7;
	v1 =	vand.u32 $0x7F, v1  }
0x6b: {  	v7 =	vld [tilespmem:s19+$0x40A0];
	v19 =	vshll.u32 v2, $0xC;
	v2 =	vand.u32 $0x7F, v2;
	v12 =	vshll.u32 v9, $0xC  }
0x6c: {  	v8 =	vld [tilespmem:s19+$0x104C0];
	v18 =	vshll.u32 v4, $0xC;
	v17 =	vshll.u32 v16, $0xC;
	v3 =	vand.u32 $0xFFF80000, v3  }
0x6d: {  	v11 =	vld [tilespmem:s19+$0x40B0];
	v15 =	vshll.u32 v15, $0x7;
	v16 =	vand.u32 $0x7F, v16;
	v0 =	vadd.s32 v0, v3  }
0x6e: {  	v14 =	vld [tilespmem:s19+$0x40D0];
	v3 =	vand.u32 $0x7F, v6;
	v6 =	vshll.u32 v6, $0xC;
	v1 =	vor.u32 v1, v0  }
0x6f: {  	v13 =	vld [tilespmem:s19+$0x40E0];
	v0 =	vand.u32 $0x7F, v5;
	v10 =	vand.u32 $0xFFF80000, v6;
	[tilespmem:s19+$0x40F0] =	vst v1;
	v1 =	vshll.u32 v5, $0xC  }
0x70: {  	s20 =	simm.s32 $0x200;
	v6 =	vand.u32 $0xFFF80000, v19;
	v5 =	vand.u32 $0x7F, v9;
	v9 =	vld [tilespmem:s19+$0x4080];
	v1 =	vand.u32 $0xFFF80000, v1  }
.LBB2_3:
0x71: {  	s21 =	sshra.s32 s20, $0x2;
	p1 =	sne.s32 s20, $0x30E00;
	s20 =	sadd.s32 $0x200, s20;
	v19 =	vld [tilespmem:s19+$0x4090];
	v18 =	vand.u32 $0xFFF80000, v18;
	v7 =	vshll.u32 v7, $0x7;
	v20 =	vand.u32 $0x7F, v8  }
0x72: {  	v4 =	vand.u32 $0x7F, v4;
	v17 =	vand.u32 $0xFFF80000, v17;
	v21 =	vld [tilespmem:s21+$0x40F0];
	v7 =	vadd.s32 v7, v18  }
0x73: {  	v8 =	vshll.u32 v8, $0xC;
	v18 =	vld [tilespmem:s21+$0x104F0];
	v4 =	vor.u32 v4, v7;
	v7 =	vshll.u32 v11, $0x7  }
0x74: {  	v11 =	vshll.u32 v14, $0x7;
	v22 =	vld [tilespmem:s21+$0x10480];
	[tilespmem:s19+$0x40A0] =	vst v4;
	v4 =	vand.u32 $0xFFF80000, v12;
	v12 =	vshll.u32 v13, $0x7  }
0x75: {  	v13 =	vld [tilespmem:s21+$0x104E0];
	v4 =	vadd.s32 v7, v4;
	v7 =	vand.u32 $0xFFF80000, v8;
	v8 =	vadd.s32 v11, v17  }
0x76: {  	v10 =	vadd.s32 v12, v10;
	v11 =	vld [tilespmem:s21+$0x10490];
	v7 =	vadd.s32 v15, v7;
	v8 =	vor.u32 v16, v8  }
0x77: {  	v5 =	vor.u32 v5, v4;
	v3 =	vor.u32 v3, v10;
	v12 =	vld [tilespmem:s21+$0x104B0];
	v7 =	vor.u32 v20, v7;
	[tilespmem:s19+$0x40D0] =	vst v8  }
0x78: {  	v9 =	vshll.u32 v9, $0x7;
	v10 =	vshll.u32 v19, $0x7;
	v4 =	vld [tilespmem:s21+$0x104A0];
	v8 =	vshll.u32 v18, $0xC;
	[tilespmem:s19+$0x40C0] =	vst v7  }
0x79: {  	v6 =	vadd.s32 v9, v6;
	v14 =	vshll.u32 v21, $0x7;
	v16 =	vld [tilespmem:s21+$0x104D0];
	v8 =	vand.u32 $0xFFF80000, v8;
	[tilespmem:s19+$0x40B0] =	vst v5  }
0x7a: {  	v2 =	vor.u32 v2, v6;
	v7 =	vld [tilespmem:s21+$0x40A0];
	v5 =	vadd.s32 v14, v8;
	v8 =	vand.u32 $0x7F, v18;
	[tilespmem:s19+$0x40E0] =	vst v3  }
0x7b: {  	v1 =	vadd.s32 v10, v1;
	v6 =	vand.u32 $0x7F, v11;
	v15 =	vld [tilespmem:s21+$0x40C0];
	v5 =	vor.u32 v8, v5;
	[tilespmem:s19+$0x4080] =	vst v2  }
.Ltmp5:
0x7c: {  	v1 =	vor.u32 v0, v1;
	v19 =	vshll.u32 v22, $0xC;
	v3 =	vand.u32 $0x7F, v13;
	v8 =	vld [tilespmem:s21+$0x104C0];
	[tilespmem:s21+$0x40F0] =	vst v5;
	v0 =	vmovc v6;
	(pc) =	sbr.rel @p1 .LBB2_3-.Ltmp5, $4  }
0x7d: {  	v9 =	vshll.u32 v13, $0xC;
	v6 =	vshll.u32 v11, $0xC;
	v5 =	vand.u32 $0x7F, v12;
	v11 =	vld [tilespmem:s21+$0x40B0];
	[tilespmem:s19+$0x4090] =	vst v1;
	s19 =	smov.u32 s21  }
0x7e: {  	v2 =	vand.u32 $0x7F, v22;
	v12 =	vshll.u32 v12, $0xC;
	v1 =	vand.u32 $0xFFF80000, v6;
	v14 =	vld [tilespmem:s19+$0x40D0]  }
0x7f: {  	v10 =	vand.u32 $0xFFF80000, v9;
	v18 =	vshll.u32 v4, $0xC;
	v17 =	vshll.u32 v16, $0xC;
	v13 =	vld [tilespmem:s19+$0x40E0]  }
0x80: {  	v6 =	vand.u32 $0xFFF80000, v19;
	v16 =	vand.u32 $0x7F, v16;
	v9 =	vld [tilespmem:s19+$0x4080];
	v15 =	vshll.u32 v15, $0x7  }
0x81: {  	v18 =	vand.u32 $0xFFF80000, v18;
	v7 =	vshll.u32 v7, $0x7;
	v19 =	vand.u32 $0x7F, v8  }
0x82: {  	v4 =	vand.u32 $0x7F, v4;
	v17 =	vand.u32 $0xFFF80000, v17;
	v57 =	vshll.u32 v8, $0xC  }
0x83: {  	v56 =	vld [tilespmem:s19+$0x4090];
	v59 =	vand.u32 $0xFFF80000, v12;
	v7 =	vadd.s32 v7, v18;
	v58 =	vshll.u32 v14, $0x7  }
0x84: {  	v4 =	vor.u32 v4, v7;
	v7 =	vand.u32 $0xFFF80000, v57;
	v8 =	vadd.s32 v58, v17  }
0x85: {  	v11 =	vshll.u32 v11, $0x7;
	[tilespmem:s19+$0x40A0] =	vst v4;
	v7 =	vadd.s32 v15, v7;
	v8 =	vor.u32 v16, v8  }
0x86: {  	v60 =	vshll.u32 v13, $0x7;
	v4 =	vadd.s32 v11, v59;
	v7 =	vor.u32 v19, v7;
	[tilespmem:s19+$0x40D0] =	vst v8  }
0x87: {  	v61 =	vadd.s32 v60, v10;
	v4 =	vor.u32 v5, v4;
	v62 =	vshll.u32 v9, $0x7;
	[tilespmem:s19+$0x40C0] =	vst v7  }
0x88: {  	v3 =	vor.u32 v3, v61;
	v63 =	vshll.u32 v56, $0x7;
	v5 =	vadd.s32 v62, v6;
	[tilespmem:s19+$0x40B0] =	vst v4  }
0x89: {  	v2 =	vor.u32 v2, v5;
	[tilespmem:s19+$0x40E0] =	vst v3;
	v1 =	vadd.s32 v63, v1  }
0x8a: {  	[tilespmem:s19+$0x4080] =	vst v2;
	v0 =	vor.u32 v0, v1  }
.Ltmp6:
0x8b: {  	[tilespmem:s19+$0x4090] =	vst v0;
	(pc) =	sbr.rel .LBB2_8-.Ltmp6, $4  }
0x8c: {  	[hbm4b:s8+s2] =	stream.linear.scatter [tilespmem:s16], [sflag:$0x2], $0xC400, $0x38;
	[tilespmem:$0x1C880] =	vst v63  }
0x8d: {  	_ =	swait.ge [sflag:s13], $0xC400  }
0x8e: {  	[sflag:s13] =	ssyncset.done $0x0  }
0x8f: {  	[sflag:s13] =	ssyncadd.s32 $0xFFFF3C00  }
.LBB2_9:
0x90: {  	_ =	sfence.sel $0x180000  }
0x91: {  	[bflag:$0x0] =	sbarrier.arrive $0xFFFF  }
0x92: {  	p0 =	sne.s32 s3, $0x0;
	_ =	strace $0x90000047  }
0x93: {  	s0 =	sadd.s32 @!p0 $0x100000, s0;
	[bflag:$0x2] =	sbarrier.arrive $0xFFFF  }
0x94: {  	[sflag:s0] =	ssyncadd.tile.s32 @!p0 $0x1;
	_ =	shalt  }
.Lfunc_end2:
_tile_overlayer_lowered:
.L_overlay_start_2:
0x95: {  	(tag) =	ssettag $0x2  }
0x96: {  	s0 =	rddreg [dreg:$0x0];
	s2 =	stileid.u32  }
0x97: {  	s1 =	rddreg [dreg:$0x1];
	p0 =	sne.s32 s2, $0x0  }
0x98: {  	s3 =	rddreg [dreg:$0x2];
	[bflag:$0x3] =	sbarrier.arrive $0xFFFF;
	s2 =	simm.s32 @!p0 $0x1C02  }
0x99: {  	[timem:s3], [sflag:s2] =	dma.local @!p0 [hbm:s0], s1  }
0x9a: {  	s0 =	simm.s32 @!p0 $0x2  }
0x9b: {  	_ =	swait.ge @!p0 [sflag:s0], s1  }
0x9c: {  	s1 =	ssub.s32 @!p0 $0x0, s1;
	[sflag:s0] =	ssyncset.done @!p0 $0x0  }
0x9d: {  	[sflag:s0] =	ssyncadd.s32 @!p0 s1  }
0x9e: {  	[bflag:$0x3] =	sbarrier.arrive $0xFFFF  }
0x9f: {  	_ =	shalt  }

</sc_bundles>
